<compile_context>
chip_gen: v7x
topology: tpu7x:2x2x1
jax: 0.10.2.dev20260603
libtpu: 0.0.44.dev20260713+nightly
codegen_flags: <defaults>
</compile_context>

<pallas_src>
import functools

import jax
import jax.numpy as jnp
from jax import lax
from jax.experimental import pallas as pl
from jax.experimental.pallas import tpu as pltpu
from jax.experimental.pallas import tpu_sc as plsc

N = 320000
D = 128
S = 10000

NC = 2
NS = 16
ROWS_PER_TILE = N // (NC * NS)
CHUNK = 64
N_FULL = ROWS_PER_TILE // CHUNK
TAIL = ROWS_PER_TILE - N_FULL * CHUNK
SEG_PER_TILE = 624
SEG_REM = S - NS * SEG_PER_TILE
SP = 10240


def _fill_rows(buf, nrows, ncols, val):
    v = jnp.full((16,), val, jnp.float32)

    def body(i, carry):
        for col in range(ncols // 16):
            buf[i, pl.ds(col * 16, 16)] = v
        return carry

    lax.fori_loop(0, nrows, body, 0)


def _fill_1d(buf, n, val):
    v = jnp.full((16,), val, jnp.float32)

    def body(i, carry):
        buf[pl.ds(i * 16, 16)] = v
        return carry

    lax.fori_loop(0, n // 16, body, 0)


def _sc_partial_sums(data, seg_ids):
    mesh = plsc.VectorSubcoreMesh(core_axis_name="c", subcore_axis_name="s")

    @functools.partial(
        pl.kernel,
        out_type=(
            jax.ShapeDtypeStruct((NC, S, D), jnp.float32),
            jax.ShapeDtypeStruct((NC * SP,), jnp.float32),
        ),
        mesh=mesh,
        scratch_types=dict(
            acc_sh=pltpu.VMEM_SHARED((S, D), jnp.float32),
            cnt_sh=pltpu.VMEM_SHARED((S,), jnp.float32),
            idx_v=pltpu.VMEM((CHUNK,), jnp.int32),
            dat_v=pltpu.VMEM((CHUNK, D), jnp.float32),
            idx_t=pltpu.VMEM((TAIL,), jnp.int32),
            ones_v=pltpu.VMEM((CHUNK,), jnp.float32),
            zcnt=pltpu.VMEM((SEG_PER_TILE,), jnp.float32),
        ),
    )
    def k(data_hbm, ids_hbm, psum_hbm, pcnt_hbm, *, acc_sh, cnt_sh, idx_v,
          dat_v, idx_t, ones_v, zcnt):
        c = lax.axis_index("c")
        s = lax.axis_index("s")
        wid = c * NS + s

        _fill_1d(ones_v, CHUNK, 1.0)
        _fill_1d(zcnt, SEG_PER_TILE, 0.0)
        _fill_rows(dat_v, CHUNK, D, 0.0)

        seg0 = s * SEG_PER_TILE
        zchunks = []
        off = 0
        while off < SEG_PER_TILE:
            zchunks.append((off, min(CHUNK, SEG_PER_TILE - off)))
            off += CHUNK
        for off, nr in zchunks:
            pltpu.sync_copy(dat_v.at[pl.ds(0, nr), :],
                            acc_sh.at[pl.ds(seg0 + off, nr), :])
        pltpu.sync_copy(zcnt, cnt_sh.at[pl.ds(seg0, SEG_PER_TILE)])

        @pl.when(s == NS - 1)
        def _():
            pltpu.sync_copy(dat_v.at[pl.ds(0, SEG_REM), :],
                            acc_sh.at[pl.ds(NS * SEG_PER_TILE, SEG_REM), :])
            pltpu.sync_copy(zcnt.at[pl.ds(0, SEG_REM)],
                            cnt_sh.at[pl.ds(NS * SEG_PER_TILE, SEG_REM)])
        plsc.subcore_barrier()

        row0 = wid * ROWS_PER_TILE

        def body(g, carry):
            base = row0 + g * CHUNK
            pltpu.sync_copy(ids_hbm.at[pl.ds(base, CHUNK)], idx_v)
            pltpu.sync_copy(data_hbm.at[pl.ds(base, CHUNK), :], dat_v)
            pltpu.sync_copy(dat_v, acc_sh.at[idx_v], add=True)
            pltpu.sync_copy(ones_v, cnt_sh.at[idx_v], add=True)
            return carry

        lax.fori_loop(0, N_FULL, body, 0)

        base = row0 + N_FULL * CHUNK
        pltpu.sync_copy(ids_hbm.at[pl.ds(base, TAIL)], idx_t)
        pltpu.sync_copy(data_hbm.at[pl.ds(base, TAIL), :],
                        dat_v.at[pl.ds(0, TAIL), :])
        pltpu.sync_copy(dat_v.at[pl.ds(0, TAIL), :], acc_sh.at[idx_t], add=True)
        pltpu.sync_copy(ones_v.at[pl.ds(0, TAIL)], cnt_sh.at[idx_t], add=True)

        plsc.subcore_barrier()

        pltpu.sync_copy(acc_sh.at[pl.ds(seg0, SEG_PER_TILE), :],
                        psum_hbm.at[c, pl.ds(seg0, SEG_PER_TILE), :])
        pltpu.sync_copy(cnt_sh.at[pl.ds(seg0, SEG_PER_TILE)], zcnt)
        pltpu.sync_copy(zcnt, pcnt_hbm.at[pl.ds(c * SP + seg0, SEG_PER_TILE)])

        @pl.when(s == NS - 1)
        def _():
            base = NS * SEG_PER_TILE
            pltpu.sync_copy(acc_sh.at[pl.ds(base, SEG_REM), :],
                            psum_hbm.at[c, pl.ds(base, SEG_REM), :])
            pltpu.sync_copy(cnt_sh.at[pl.ds(base, SEG_REM)],
                            zcnt.at[pl.ds(0, SEG_REM)])
            pltpu.sync_copy(zcnt.at[pl.ds(0, SEG_REM)],
                            pcnt_hbm.at[pl.ds(c * SP + base, SEG_REM)])

    return k(data, seg_ids)


def _combine_kernel(psum_ref, pcnt_ref, out_ref):
    i = pl.program_id(0)
    rows = out_ref.shape[0]
    total = psum_ref[0] + psum_ref[1]
    cnt = (pcnt_ref[pl.ds(i * rows, rows)]
           + pcnt_ref[pl.ds(SP + i * rows, rows)])
    cnt0 = jnp.maximum(cnt, 1e-6)[:, None]
    out_ref[...] = total / cnt0


def _combine(psum, pcnt):
    rows = 1024
    grid = (S + rows - 1) // rows
    return pl.pallas_call(
        _combine_kernel,
        out_shape=jax.ShapeDtypeStruct((S, D), jnp.float32),
        grid=(grid,),
        in_specs=[
            pl.BlockSpec((NC, rows, D), lambda i: (0, i, 0)),
            pl.BlockSpec((NC * SP,), lambda i: (0,)),
        ],
        out_specs=pl.BlockSpec((rows, D), lambda i: (i, 0)),
    )(psum, pcnt)


def kernel(data, segment_ids, num_segments):
    del num_segments
    psum, pcnt = _sc_partial_sums(data, segment_ids)
    return _combine(psum, pcnt)

# --- scband reference (transcript-rebuilt; emitter-appended) ---
"""Pipeline reference for scband-segmentor-new-35296041238601 (READ-ONLY COPY).

The authoritative reference and input builder live on the scoring server;
editing this copy changes nothing except your own understanding.
"""

import jax, jax.numpy as jnp
import numpy as np

N = 320000
D = 128
NUM_SEGMENTS = 10000


def setup_inputs(seed: int = 0) -> dict:
    key = jax.random.key(seed)
    k1, k2 = jax.random.split(key)
    data = jax.random.normal(k1, (N, D), dtype=jnp.float32)
    segment_ids = jnp.sort(jax.random.randint(k2, (N,), 0, NUM_SEGMENTS, dtype=jnp.int32))
    return {"data": data, "segment_ids": segment_ids, "num_segments": NUM_SEGMENTS}


def reference(data, segment_ids, num_segments):
    # Faithful to SegmentorNew.simple_down: scatter_add of features and of ones,
    # then mean = feat_sum / clamp(counts, min=1e-6).
    num_segments_arr = jnp.asarray(num_segments)
    segment_ids = jnp.minimum(segment_ids, (num_segments_arr - 1).astype(segment_ids.dtype))
    feat_sum = jax.ops.segment_sum(data, segment_ids, num_segments=NUM_SEGMENTS)
    ones = jnp.ones((data.shape[0],), dtype=data.dtype)
    counts = jax.ops.segment_sum(ones, segment_ids, num_segments=NUM_SEGMENTS)
    counts = jnp.maximum(counts, 1e-6)[:, None]
    return feat_sum / counts

if __name__ == "__main__":
    import jax
    _d = setup_inputs()
    print(jax.jit(kernel)(*tuple(_d.values())))

</pallas_src>

<mosaic_0001>
#map = affine_map<(d0, d1) -> (0, 0)>
#map1 = affine_map<(d0, d1) -> (0)>
#map2 = affine_map<(d0, d1) -> (0, 0, 0)>
module attributes {stable_mosaic.version = 14 : i64} {
  func.func @k(%arg0: i32, %arg1: i32, %arg2: memref<320000x128xf32, #tpu.memory_space<hbm>>, %arg3: memref<320000xi32, #tpu.memory_space<hbm>>, %arg4: memref<2x10000x128xf32, #tpu.memory_space<hbm>>, %arg5: memref<20480xf32, #tpu.memory_space<hbm>>, %arg6: memref<10000x128xf32, #tpu.memory_space<vmem_shared>>, %arg7: memref<10000xf32, #tpu.memory_space<vmem_shared>>, %arg8: memref<64x128xf32, #tpu.memory_space<vmem>>, %arg9: memref<16xi32, #tpu.memory_space<vmem>>, %arg10: memref<64xi32, #tpu.memory_space<vmem>>, %arg11: memref<64xf32, #tpu.memory_space<vmem>>, %arg12: memref<624xf32, #tpu.memory_space<vmem>>) attributes {dimension_semantics = [#tpu.dimension_semantics<core_parallel>, #tpu.dimension_semantics<subcore_parallel>], iteration_bounds = array<i64: 2, 16>, scalar_prefetch = 0 : i64, scratch_operands = 7 : i64, tpu.core_type = #tpu.core_type<sc_vector_subcore>, window_params = [{transform_indices = #map}, {transform_indices = #map1}, {transform_indices = #map2}, {transform_indices = #map1}]} {
    %mul3A = arith.constant 16 : i32
    %mul3A_0 = arith.muli %arg0, %mul3A : i32
    %add3A = arith.addi %mul3A_0, %arg1 : i32
    %broadcast_in_dim3A = arith.constant 1.000000e+00 : f32
    %broadcast_in_dim3A_1 = vector.broadcast %broadcast_in_dim3A : f32 to vector<16xf32>
    %scan3A = arith.constant 0 : i32
    %scan3A_2 = arith.constant 0 : i32
    %scan3A_3 = arith.constant 4 : i32
    %scan3A_4 = arith.addi %scan3A_2, %scan3A_3 : i32
    %scan3A_5 = arith.constant 1 : i32
    scf.for %scan3A_66 = %scan3A_2 to %scan3A_4 step %scan3A_5  : i32 {
      %mul3A_67 = arith.constant 16 : i32
      %mul3A_68 = arith.muli %scan3A_66, %mul3A_67 : i32
      %swap3A = arith.index_cast %mul3A_68 : i32 to index
      %swap3A_69 = tpu.vector_load %arg11[%swap3A] {strides = array<i32>} : memref<64xf32, #tpu.memory_space<vmem>>, vector<16xf32>,
      %swap3A_70 = vector.shape_cast %swap3A_69 : vector<16xf32> to vector<16xf32>
      %swap3A_71 = vector.shape_cast %broadcast_in_dim3A_1 : vector<16xf32> to vector<16xf32>
      tpu.vector_store %arg11[%swap3A], %swap3A_71 {strides = array<i32>} : memref<64xf32, #tpu.memory_space<vmem>>, vector<16xf32>,
    }
    %scan3A_6 = arith.constant 4 : i32
    %broadcast_in_dim3A_7 = arith.constant 0.000000e+00 : f32
    %broadcast_in_dim3A_8 = vector.broadcast %broadcast_in_dim3A_7 : f32 to vector<16xf32>
    %scan3A_9 = arith.constant 0 : i32
    %scan3A_10 = arith.constant 0 : i32
    %scan3A_11 = arith.constant 39 : i32
    %scan3A_12 = arith.addi %scan3A_10, %scan3A_11 : i32
    %scan3A_13 = arith.constant 1 : i32
    scf.for %scan3A_66 = %scan3A_10 to %scan3A_12 step %scan3A_13  : i32 {
      %mul3A_67 = arith.constant 16 : i32
      %mul3A_68 = arith.muli %scan3A_66, %mul3A_67 : i32
      %swap3A = arith.index_cast %mul3A_68 : i32 to index
      %swap3A_69 = tpu.vector_load %arg12[%swap3A] {strides = array<i32>} : memref<624xf32, #tpu.memory_space<vmem>>, vector<16xf32>,
      %swap3A_70 = vector.shape_cast %swap3A_69 : vector<16xf32> to vector<16xf32>
      %swap3A_71 = vector.shape_cast %broadcast_in_dim3A_8 : vector<16xf32> to vector<16xf32>
      tpu.vector_store %arg12[%swap3A], %swap3A_71 {strides = array<i32>} : memref<624xf32, #tpu.memory_space<vmem>>, vector<16xf32>,
    }
    %scan3A_14 = arith.constant 39 : i32
    %broadcast_in_dim3A_15 = arith.constant 0.000000e+00 : f32
    %broadcast_in_dim3A_16 = vector.broadcast %broadcast_in_dim3A_15 : f32 to vector<16xf32>
    %scan3A_17 = arith.constant 0 : i32
    %scan3A_18 = arith.constant 0 : i32
    %scan3A_19 = arith.constant 64 : i32
    %scan3A_20 = arith.addi %scan3A_18, %scan3A_19 : i32
    %scan3A_21 = arith.constant 1 : i32
    scf.for %scan3A_66 = %scan3A_18 to %scan3A_20 step %scan3A_21  : i32 {
      %swap3A = arith.index_cast %scan3A_66 : i32 to index
      %swap3A_67 = arith.constant 0 : index
      %swap3A_68 = tpu.vector_load %arg8[%swap3A, %swap3A_67] {strides = array<i32>} : memref<64x128xf32, #tpu.memory_space<vmem>>, vector<1x16xf32>,
      %swap3A_69 = vector.shape_cast %swap3A_68 : vector<1x16xf32> to vector<16xf32>
      %swap3A_70 = vector.shape_cast %broadcast_in_dim3A_16 : vector<16xf32> to vector<1x16xf32>
      tpu.vector_store %arg8[%swap3A, %swap3A_67], %swap3A_70 {strides = array<i32>} : memref<64x128xf32, #tpu.memory_space<vmem>>, vector<1x16xf32>,
      %swap3A_71 = arith.index_cast %scan3A_66 : i32 to index
      %swap3A_72 = arith.constant 16 : index
      %swap3A_73 = tpu.vector_load %arg8[%swap3A_71, %swap3A_72] {strides = array<i32>} : memref<64x128xf32, #tpu.memory_space<vmem>>, vector<1x16xf32>,
      %swap3A_74 = vector.shape_cast %swap3A_73 : vector<1x16xf32> to vector<16xf32>
      %swap3A_75 = vector.shape_cast %broadcast_in_dim3A_16 : vector<16xf32> to vector<1x16xf32>
      tpu.vector_store %arg8[%swap3A_71, %swap3A_72], %swap3A_75 {strides = array<i32>} : memref<64x128xf32, #tpu.memory_space<vmem>>, vector<1x16xf32>,
      %swap3A_76 = arith.index_cast %scan3A_66 : i32 to index
      %swap3A_77 = arith.constant 32 : index
      %swap3A_78 = tpu.vector_load %arg8[%swap3A_76, %swap3A_77] {strides = array<i32>} : memref<64x128xf32, #tpu.memory_space<vmem>>, vector<1x16xf32>,
      %swap3A_79 = vector.shape_cast %swap3A_78 : vector<1x16xf32> to vector<16xf32>
      %swap3A_80 = vector.shape_cast %broadcast_in_dim3A_16 : vector<16xf32> to vector<1x16xf32>
      tpu.vector_store %arg8[%swap3A_76, %swap3A_77], %swap3A_80 {strides = array<i32>} : memref<64x128xf32, #tpu.memory_space<vmem>>, vector<1x16xf32>,
      %swap3A_81 = arith.index_cast %scan3A_66 : i32 to index
      %swap3A_82 = arith.constant 48 : index
      %swap3A_83 = tpu.vector_load %arg8[%swap3A_81, %swap3A_82] {strides = array<i32>} : memref<64x128xf32, #tpu.memory_space<vmem>>, vector<1x16xf32>,
      %swap3A_84 = vector.shape_cast %swap3A_83 : vector<1x16xf32> to vector<16xf32>
      %swap3A_85 = vector.shape_cast %broadcast_in_dim3A_16 : vector<16xf32> to vector<1x16xf32>
      tpu.vector_store %arg8[%swap3A_81, %swap3A_82], %swap3A_85 {strides = array<i32>} : memref<64x128xf32, #tpu.memory_space<vmem>>, vector<1x16xf32>,
      %swap3A_86 = arith.index_cast %scan3A_66 : i32 to index
      %swap3A_87 = arith.constant 64 : index
      %swap3A_88 = tpu.vector_load %arg8[%swap3A_86, %swap3A_87] {strides = array<i32>} : memref<64x128xf32, #tpu.memory_space<vmem>>, vector<1x16xf32>,
      %swap3A_89 = vector.shape_cast %swap3A_88 : vector<1x16xf32> to vector<16xf32>
      %swap3A_90 = vector.shape_cast %broadcast_in_dim3A_16 : vector<16xf32> to vector<1x16xf32>
      tpu.vector_store %arg8[%swap3A_86, %swap3A_87], %swap3A_90 {strides = array<i32>} : memref<64x128xf32, #tpu.memory_space<vmem>>, vector<1x16xf32>,
      %swap3A_91 = arith.index_cast %scan3A_66 : i32 to index
      %swap3A_92 = arith.constant 80 : index
      %swap3A_93 = tpu.vector_load %arg8[%swap3A_91, %swap3A_92] {strides = array<i32>} : memref<64x128xf32, #tpu.memory_space<vmem>>, vector<1x16xf32>,
      %swap3A_94 = vector.shape_cast %swap3A_93 : vector<1x16xf32> to vector<16xf32>
      %swap3A_95 = vector.shape_cast %broadcast_in_dim3A_16 : vector<16xf32> to vector<1x16xf32>
      tpu.vector_store %arg8[%swap3A_91, %swap3A_92], %swap3A_95 {strides = array<i32>} : memref<64x128xf32, #tpu.memory_space<vmem>>, vector<1x16xf32>,
      %swap3A_96 = arith.index_cast %scan3A_66 : i32 to index
      %swap3A_97 = arith.constant 96 : index
      %swap3A_98 = tpu.vector_load %arg8[%swap3A_96, %swap3A_97] {strides = array<i32>} : memref<64x128xf32, #tpu.memory_space<vmem>>, vector<1x16xf32>,
      %swap3A_99 = vector.shape_cast %swap3A_98 : vector<1x16xf32> to vector<16xf32>
      %swap3A_100 = vector.shape_cast %broadcast_in_dim3A_16 : vector<16xf32> to vector<1x16xf32>
      tpu.vector_store %arg8[%swap3A_96, %swap3A_97], %swap3A_100 {strides = array<i32>} : memref<64x128xf32, #tpu.memory_space<vmem>>, vector<1x16xf32>,
      %swap3A_101 = arith.index_cast %scan3A_66 : i32 to index
      %swap3A_102 = arith.constant 112 : index
      %swap3A_103 = tpu.vector_load %arg8[%swap3A_101, %swap3A_102] {strides = array<i32>} : memref<64x128xf32, #tpu.memory_space<vmem>>, vector<1x16xf32>,
      %swap3A_104 = vector.shape_cast %swap3A_103 : vector<1x16xf32> to vector<16xf32>
      %swap3A_105 = vector.shape_cast %broadcast_in_dim3A_16 : vector<16xf32> to vector<1x16xf32>
      tpu.vector_store %arg8[%swap3A_101, %swap3A_102], %swap3A_105 {strides = array<i32>} : memref<64x128xf32, #tpu.memory_space<vmem>>, vector<1x16xf32>,
    }
    %scan3A_22 = arith.constant 64 : i32
    %mul3A_23 = arith.constant 624 : i32
    %mul3A_24 = arith.muli %arg1, %mul3A_23 : i32
    %add3A_25 = arith.constant 0 : i32
    %add3A_26 = arith.addi %mul3A_24, %add3A_25 : i32
    "tpu.region"() ({
      %run_scoped3A = tpu.sem_alloc : memref<!tpu.dma_semaphore, #tpu.memory_space<semaphore_mem>>
      %dma_start3A = arith.constant 0 : i32
      %dma_start3A_66 = arith.constant 0 : i32
      %dma_start3A_67 = tpu.memref_slice %arg8[%dma_start3A, %dma_start3A_66] : memref<64x128xf32, #tpu.memory_space<vmem>> -> memref<64x128xf32, #tpu.memory_space<vmem>>
      %dma_start3A_68 = arith.constant 0 : i32
      %dma_start3A_69 = tpu.memref_slice %arg6[%add3A_26, %dma_start3A_68] : memref<10000x128xf32, #tpu.memory_space<vmem_shared>> -> memref<64x128xf32, #tpu.memory_space<vmem_shared>>
      %dma_start3A_70 = arith.constant 0 : i32
      %dma_start3A_71 = tpu.memref_slice %arg6[%add3A_26, %dma_start3A_70] : memref<10000x128xf32, #tpu.memory_space<vmem_shared>> -> memref<64x128xf32, #tpu.memory_space<vmem_shared>>
      %dma_start3A_72 = arith.constant 0 : i32
      %dma_start3A_73 = arith.constant 0 : i32
      %dma_start3A_74 = tpu.memref_slice %arg8[%dma_start3A_72, %dma_start3A_73] : memref<64x128xf32, #tpu.memory_space<vmem>> -> memref<64x128xf32, #tpu.memory_space<vmem>>
      tpu.enqueue_dma source(%dma_start3A_74 : memref<64x128xf32, #tpu.memory_space<vmem>>) target(%dma_start3A_71 : memref<64x128xf32, #tpu.memory_space<vmem_shared>>) target_semaphore(%run_scoped3A : memref<!tpu.dma_semaphore, #tpu.memory_space<semaphore_mem>>)
      %dma_wait3A = arith.constant 0 : i32
      %dma_wait3A_75 = arith.constant 0 : i32
      %dma_wait3A_76 = tpu.memref_slice %arg8[%dma_wait3A, %dma_wait3A_75] : memref<64x128xf32, #tpu.memory_space<vmem>> -> memref<64x128xf32, #tpu.memory_space<vmem>>
      %dma_wait3A_77 = arith.constant 0 : i32
      %dma_wait3A_78 = tpu.memref_slice %arg6[%add3A_26, %dma_wait3A_77] : memref<10000x128xf32, #tpu.memory_space<vmem_shared>> -> memref<64x128xf32, #tpu.memory_space<vmem_shared>>
      %dma_wait3A_79 = arith.constant 0 : i32
      %dma_wait3A_80 = tpu.memref_slice %arg6[%add3A_26, %dma_wait3A_79] : memref<10000x128xf32, #tpu.memory_space<vmem_shared>> -> memref<64x128xf32, #tpu.memory_space<vmem_shared>>
      %dma_wait3A_81 = arith.constant 0 : i32
      %dma_wait3A_82 = arith.constant 0 : i32
      %dma_wait3A_83 = tpu.memref_slice %arg8[%dma_wait3A_81, %dma_wait3A_82] : memref<64x128xf32, #tpu.memory_space<vmem>> -> memref<64x128xf32, #tpu.memory_space<vmem>>
      tpu.wait_dma2 semaphore(%run_scoped3A : memref<!tpu.dma_semaphore, #tpu.memory_space<semaphore_mem>>) src(%dma_wait3A_83 : memref<64x128xf32, #tpu.memory_space<vmem>>) dst(%dma_wait3A_80 : memref<64x128xf32, #tpu.memory_space<vmem_shared>>)
      tpu.yield
    }) : () -> ()
    %add3A_27 = arith.constant 64 : i32
    %add3A_28 = arith.addi %mul3A_24, %add3A_27 : i32
    "tpu.region"() ({
      %run_scoped3A = tpu.sem_alloc : memref<!tpu.dma_semaphore, #tpu.memory_space<semaphore_mem>>
      %dma_start3A = arith.constant 0 : i32
      %dma_start3A_66 = arith.constant 0 : i32
      %dma_start3A_67 = tpu.memref_slice %arg8[%dma_start3A, %dma_start3A_66] : memref<64x128xf32, #tpu.memory_space<vmem>> -> memref<64x128xf32, #tpu.memory_space<vmem>>
      %dma_start3A_68 = arith.constant 0 : i32
      %dma_start3A_69 = tpu.memref_slice %arg6[%add3A_28, %dma_start3A_68] : memref<10000x128xf32, #tpu.memory_space<vmem_shared>> -> memref<64x128xf32, #tpu.memory_space<vmem_shared>>
      %dma_start3A_70 = arith.constant 0 : i32
      %dma_start3A_71 = tpu.memref_slice %arg6[%add3A_28, %dma_start3A_70] : memref<10000x128xf32, #tpu.memory_space<vmem_shared>> -> memref<64x128xf32, #tpu.memory_space<vmem_shared>>
      %dma_start3A_72 = arith.constant 0 : i32
      %dma_start3A_73 = arith.constant 0 : i32
      %dma_start3A_74 = tpu.memref_slice %arg8[%dma_start3A_72, %dma_start3A_73] : memref<64x128xf32, #tpu.memory_space<vmem>> -> memref<64x128xf32, #tpu.memory_space<vmem>>
      tpu.enqueue_dma source(%dma_start3A_74 : memref<64x128xf32, #tpu.memory_space<vmem>>) target(%dma_start3A_71 : memref<64x128xf32, #tpu.memory_space<vmem_shared>>) target_semaphore(%run_scoped3A : memref<!tpu.dma_semaphore, #tpu.memory_space<semaphore_mem>>)
      %dma_wait3A = arith.constant 0 : i32
      %dma_wait3A_75 = arith.constant 0 : i32
      %dma_wait3A_76 = tpu.memref_slice %arg8[%dma_wait3A, %dma_wait3A_75] : memref<64x128xf32, #tpu.memory_space<vmem>> -> memref<64x128xf32, #tpu.memory_space<vmem>>
      %dma_wait3A_77 = arith.constant 0 : i32
      %dma_wait3A_78 = tpu.memref_slice %arg6[%add3A_28, %dma_wait3A_77] : memref<10000x128xf32, #tpu.memory_space<vmem_shared>> -> memref<64x128xf32, #tpu.memory_space<vmem_shared>>
      %dma_wait3A_79 = arith.constant 0 : i32
      %dma_wait3A_80 = tpu.memref_slice %arg6[%add3A_28, %dma_wait3A_79] : memref<10000x128xf32, #tpu.memory_space<vmem_shared>> -> memref<64x128xf32, #tpu.memory_space<vmem_shared>>
      %dma_wait3A_81 = arith.constant 0 : i32
      %dma_wait3A_82 = arith.constant 0 : i32
      %dma_wait3A_83 = tpu.memref_slice %arg8[%dma_wait3A_81, %dma_wait3A_82] : memref<64x128xf32, #tpu.memory_space<vmem>> -> memref<64x128xf32, #tpu.memory_space<vmem>>
      tpu.wait_dma2 semaphore(%run_scoped3A : memref<!tpu.dma_semaphore, #tpu.memory_space<semaphore_mem>>) src(%dma_wait3A_83 : memref<64x128xf32, #tpu.memory_space<vmem>>) dst(%dma_wait3A_80 : memref<64x128xf32, #tpu.memory_space<vmem_shared>>)
      tpu.yield
    }) : () -> ()
    %add3A_29 = arith.constant 128 : i32
    %add3A_30 = arith.addi %mul3A_24, %add3A_29 : i32
    "tpu.region"() ({
      %run_scoped3A = tpu.sem_alloc : memref<!tpu.dma_semaphore, #tpu.memory_space<semaphore_mem>>
      %dma_start3A = arith.constant 0 : i32
      %dma_start3A_66 = arith.constant 0 : i32
      %dma_start3A_67 = tpu.memref_slice %arg8[%dma_start3A, %dma_start3A_66] : memref<64x128xf32, #tpu.memory_space<vmem>> -> memref<64x128xf32, #tpu.memory_space<vmem>>
      %dma_start3A_68 = arith.constant 0 : i32
      %dma_start3A_69 = tpu.memref_slice %arg6[%add3A_30, %dma_start3A_68] : memref<10000x128xf32, #tpu.memory_space<vmem_shared>> -> memref<64x128xf32, #tpu.memory_space<vmem_shared>>
      %dma_start3A_70 = arith.constant 0 : i32
      %dma_start3A_71 = tpu.memref_slice %arg6[%add3A_30, %dma_start3A_70] : memref<10000x128xf32, #tpu.memory_space<vmem_shared>> -> memref<64x128xf32, #tpu.memory_space<vmem_shared>>
      %dma_start3A_72 = arith.constant 0 : i32
      %dma_start3A_73 = arith.constant 0 : i32
      %dma_start3A_74 = tpu.memref_slice %arg8[%dma_start3A_72, %dma_start3A_73] : memref<64x128xf32, #tpu.memory_space<vmem>> -> memref<64x128xf32, #tpu.memory_space<vmem>>
      tpu.enqueue_dma source(%dma_start3A_74 : memref<64x128xf32, #tpu.memory_space<vmem>>) target(%dma_start3A_71 : memref<64x128xf32, #tpu.memory_space<vmem_shared>>) target_semaphore(%run_scoped3A : memref<!tpu.dma_semaphore, #tpu.memory_space<semaphore_mem>>)
      %dma_wait3A = arith.constant 0 : i32
      %dma_wait3A_75 = arith.constant 0 : i32
      %dma_wait3A_76 = tpu.memref_slice %arg8[%dma_wait3A, %dma_wait3A_75] : memref<64x128xf32, #tpu.memory_space<vmem>> -> memref<64x128xf32, #tpu.memory_space<vmem>>
      %dma_wait3A_77 = arith.constant 0 : i32
      %dma_wait3A_78 = tpu.memref_slice %arg6[%add3A_30, %dma_wait3A_77] : memref<10000x128xf32, #tpu.memory_space<vmem_shared>> -> memref<64x128xf32, #tpu.memory_space<vmem_shared>>
      %dma_wait3A_79 = arith.constant 0 : i32
      %dma_wait3A_80 = tpu.memref_slice %arg6[%add3A_30, %dma_wait3A_79] : memref<10000x128xf32, #tpu.memory_space<vmem_shared>> -> memref<64x128xf32, #tpu.memory_space<vmem_shared>>
      %dma_wait3A_81 = arith.constant 0 : i32
      %dma_wait3A_82 = arith.constant 0 : i32
      %dma_wait3A_83 = tpu.memref_slice %arg8[%dma_wait3A_81, %dma_wait3A_82] : memref<64x128xf32, #tpu.memory_space<vmem>> -> memref<64x128xf32, #tpu.memory_space<vmem>>
      tpu.wait_dma2 semaphore(%run_scoped3A : memref<!tpu.dma_semaphore, #tpu.memory_space<semaphore_mem>>) src(%dma_wait3A_83 : memref<64x128xf32, #tpu.memory_space<vmem>>) dst(%dma_wait3A_80 : memref<64x128xf32, #tpu.memory_space<vmem_shared>>)
      tpu.yield
    }) : () -> ()
    %add3A_31 = arith.constant 192 : i32
    %add3A_32 = arith.addi %mul3A_24, %add3A_31 : i32
    "tpu.region"() ({
      %run_scoped3A = tpu.sem_alloc : memref<!tpu.dma_semaphore, #tpu.memory_space<semaphore_mem>>
      %dma_start3A = arith.constant 0 : i32
      %dma_start3A_66 = arith.constant 0 : i32
      %dma_start3A_67 = tpu.memref_slice %arg8[%dma_start3A, %dma_start3A_66] : memref<64x128xf32, #tpu.memory_space<vmem>> -> memref<64x128xf32, #tpu.memory_space<vmem>>
      %dma_start3A_68 = arith.constant 0 : i32
      %dma_start3A_69 = tpu.memref_slice %arg6[%add3A_32, %dma_start3A_68] : memref<10000x128xf32, #tpu.memory_space<vmem_shared>> -> memref<64x128xf32, #tpu.memory_space<vmem_shared>>
      %dma_start3A_70 = arith.constant 0 : i32
      %dma_start3A_71 = tpu.memref_slice %arg6[%add3A_32, %dma_start3A_70] : memref<10000x128xf32, #tpu.memory_space<vmem_shared>> -> memref<64x128xf32, #tpu.memory_space<vmem_shared>>
      %dma_start3A_72 = arith.constant 0 : i32
      %dma_start3A_73 = arith.constant 0 : i32
      %dma_start3A_74 = tpu.memref_slice %arg8[%dma_start3A_72, %dma_start3A_73] : memref<64x128xf32, #tpu.memory_space<vmem>> -> memref<64x128xf32, #tpu.memory_space<vmem>>
      tpu.enqueue_dma source(%dma_start3A_74 : memref<64x128xf32, #tpu.memory_space<vmem>>) target(%dma_start3A_71 : memref<64x128xf32, #tpu.memory_space<vmem_shared>>) target_semaphore(%run_scoped3A : memref<!tpu.dma_semaphore, #tpu.memory_space<semaphore_mem>>)
      %dma_wait3A = arith.constant 0 : i32
      %dma_wait3A_75 = arith.constant 0 : i32
      %dma_wait3A_76 = tpu.memref_slice %arg8[%dma_wait3A, %dma_wait3A_75] : memref<64x128xf32, #tpu.memory_space<vmem>> -> memref<64x128xf32, #tpu.memory_space<vmem>>
      %dma_wait3A_77 = arith.constant 0 : i32
      %dma_wait3A_78 = tpu.memref_slice %arg6[%add3A_32, %dma_wait3A_77] : memref<10000x128xf32, #tpu.memory_space<vmem_shared>> -> memref<64x128xf32, #tpu.memory_space<vmem_shared>>
      %dma_wait3A_79 = arith.constant 0 : i32
      %dma_wait3A_80 = tpu.memref_slice %arg6[%add3A_32, %dma_wait3A_79] : memref<10000x128xf32, #tpu.memory_space<vmem_shared>> -> memref<64x128xf32, #tpu.memory_space<vmem_shared>>
      %dma_wait3A_81 = arith.constant 0 : i32
      %dma_wait3A_82 = arith.constant 0 : i32
      %dma_wait3A_83 = tpu.memref_slice %arg8[%dma_wait3A_81, %dma_wait3A_82] : memref<64x128xf32, #tpu.memory_space<vmem>> -> memref<64x128xf32, #tpu.memory_space<vmem>>
      tpu.wait_dma2 semaphore(%run_scoped3A : memref<!tpu.dma_semaphore, #tpu.memory_space<semaphore_mem>>) src(%dma_wait3A_83 : memref<64x128xf32, #tpu.memory_space<vmem>>) dst(%dma_wait3A_80 : memref<64x128xf32, #tpu.memory_space<vmem_shared>>)
      tpu.yield
    }) : () -> ()
    %add3A_33 = arith.constant 256 : i32
    %add3A_34 = arith.addi %mul3A_24, %add3A_33 : i32
    "tpu.region"() ({
      %run_scoped3A = tpu.sem_alloc : memref<!tpu.dma_semaphore, #tpu.memory_space<semaphore_mem>>
      %dma_start3A = arith.constant 0 : i32
      %dma_start3A_66 = arith.constant 0 : i32
      %dma_start3A_67 = tpu.memref_slice %arg8[%dma_start3A, %dma_start3A_66] : memref<64x128xf32, #tpu.memory_space<vmem>> -> memref<64x128xf32, #tpu.memory_space<vmem>>
      %dma_start3A_68 = arith.constant 0 : i32
      %dma_start3A_69 = tpu.memref_slice %arg6[%add3A_34, %dma_start3A_68] : memref<10000x128xf32, #tpu.memory_space<vmem_shared>> -> memref<64x128xf32, #tpu.memory_space<vmem_shared>>
      %dma_start3A_70 = arith.constant 0 : i32
      %dma_start3A_71 = tpu.memref_slice %arg6[%add3A_34, %dma_start3A_70] : memref<10000x128xf32, #tpu.memory_space<vmem_shared>> -> memref<64x128xf32, #tpu.memory_space<vmem_shared>>
      %dma_start3A_72 = arith.constant 0 : i32
      %dma_start3A_73 = arith.constant 0 : i32
      %dma_start3A_74 = tpu.memref_slice %arg8[%dma_start3A_72, %dma_start3A_73] : memref<64x128xf32, #tpu.memory_space<vmem>> -> memref<64x128xf32, #tpu.memory_space<vmem>>
      tpu.enqueue_dma source(%dma_start3A_74 : memref<64x128xf32, #tpu.memory_space<vmem>>) target(%dma_start3A_71 : memref<64x128xf32, #tpu.memory_space<vmem_shared>>) target_semaphore(%run_scoped3A : memref<!tpu.dma_semaphore, #tpu.memory_space<semaphore_mem>>)
      %dma_wait3A = arith.constant 0 : i32
      %dma_wait3A_75 = arith.constant 0 : i32
      %dma_wait3A_76 = tpu.memref_slice %arg8[%dma_wait3A, %dma_wait3A_75] : memref<64x128xf32, #tpu.memory_space<vmem>> -> memref<64x128xf32, #tpu.memory_space<vmem>>
      %dma_wait3A_77 = arith.constant 0 : i32
      %dma_wait3A_78 = tpu.memref_slice %arg6[%add3A_34, %dma_wait3A_77] : memref<10000x128xf32, #tpu.memory_space<vmem_shared>> -> memref<64x128xf32, #tpu.memory_space<vmem_shared>>
      %dma_wait3A_79 = arith.constant 0 : i32
      %dma_wait3A_80 = tpu.memref_slice %arg6[%add3A_34, %dma_wait3A_79] : memref<10000x128xf32, #tpu.memory_space<vmem_shared>> -> memref<64x128xf32, #tpu.memory_space<vmem_shared>>
      %dma_wait3A_81 = arith.constant 0 : i32
      %dma_wait3A_82 = arith.constant 0 : i32
      %dma_wait3A_83 = tpu.memref_slice %arg8[%dma_wait3A_81, %dma_wait3A_82] : memref<64x128xf32, #tpu.memory_space<vmem>> -> memref<64x128xf32, #tpu.memory_space<vmem>>
      tpu.wait_dma2 semaphore(%run_scoped3A : memref<!tpu.dma_semaphore, #tpu.memory_space<semaphore_mem>>) src(%dma_wait3A_83 : memref<64x128xf32, #tpu.memory_space<vmem>>) dst(%dma_wait3A_80 : memref<64x128xf32, #tpu.memory_space<vmem_shared>>)
      tpu.yield
    }) : () -> ()
    %add3A_35 = arith.constant 320 : i32
    %add3A_36 = arith.addi %mul3A_24, %add3A_35 : i32
    "tpu.region"() ({
      %run_scoped3A = tpu.sem_alloc : memref<!tpu.dma_semaphore, #tpu.memory_space<semaphore_mem>>
      %dma_start3A = arith.constant 0 : i32
      %dma_start3A_66 = arith.constant 0 : i32
      %dma_start3A_67 = tpu.memref_slice %arg8[%dma_start3A, %dma_start3A_66] : memref<64x128xf32, #tpu.memory_space<vmem>> -> memref<64x128xf32, #tpu.memory_space<vmem>>
      %dma_start3A_68 = arith.constant 0 : i32
      %dma_start3A_69 = tpu.memref_slice %arg6[%add3A_36, %dma_start3A_68] : memref<10000x128xf32, #tpu.memory_space<vmem_shared>> -> memref<64x128xf32, #tpu.memory_space<vmem_shared>>
      %dma_start3A_70 = arith.constant 0 : i32
      %dma_start3A_71 = tpu.memref_slice %arg6[%add3A_36, %dma_start3A_70] : memref<10000x128xf32, #tpu.memory_space<vmem_shared>> -> memref<64x128xf32, #tpu.memory_space<vmem_shared>>
      %dma_start3A_72 = arith.constant 0 : i32
      %dma_start3A_73 = arith.constant 0 : i32
      %dma_start3A_74 = tpu.memref_slice %arg8[%dma_start3A_72, %dma_start3A_73] : memref<64x128xf32, #tpu.memory_space<vmem>> -> memref<64x128xf32, #tpu.memory_space<vmem>>
      tpu.enqueue_dma source(%dma_start3A_74 : memref<64x128xf32, #tpu.memory_space<vmem>>) target(%dma_start3A_71 : memref<64x128xf32, #tpu.memory_space<vmem_shared>>) target_semaphore(%run_scoped3A : memref<!tpu.dma_semaphore, #tpu.memory_space<semaphore_mem>>)
      %dma_wait3A = arith.constant 0 : i32
      %dma_wait3A_75 = arith.constant 0 : i32
      %dma_wait3A_76 = tpu.memref_slice %arg8[%dma_wait3A, %dma_wait3A_75] : memref<64x128xf32, #tpu.memory_space<vmem>> -> memref<64x128xf32, #tpu.memory_space<vmem>>
      %dma_wait3A_77 = arith.constant 0 : i32
      %dma_wait3A_78 = tpu.memref_slice %arg6[%add3A_36, %dma_wait3A_77] : memref<10000x128xf32, #tpu.memory_space<vmem_shared>> -> memref<64x128xf32, #tpu.memory_space<vmem_shared>>
      %dma_wait3A_79 = arith.constant 0 : i32
      %dma_wait3A_80 = tpu.memref_slice %arg6[%add3A_36, %dma_wait3A_79] : memref<10000x128xf32, #tpu.memory_space<vmem_shared>> -> memref<64x128xf32, #tpu.memory_space<vmem_shared>>
      %dma_wait3A_81 = arith.constant 0 : i32
      %dma_wait3A_82 = arith.constant 0 : i32
      %dma_wait3A_83 = tpu.memref_slice %arg8[%dma_wait3A_81, %dma_wait3A_82] : memref<64x128xf32, #tpu.memory_space<vmem>> -> memref<64x128xf32, #tpu.memory_space<vmem>>
      tpu.wait_dma2 semaphore(%run_scoped3A : memref<!tpu.dma_semaphore, #tpu.memory_space<semaphore_mem>>) src(%dma_wait3A_83 : memref<64x128xf32, #tpu.memory_space<vmem>>) dst(%dma_wait3A_80 : memref<64x128xf32, #tpu.memory_space<vmem_shared>>)
      tpu.yield
    }) : () -> ()
    %add3A_37 = arith.constant 384 : i32
    %add3A_38 = arith.addi %mul3A_24, %add3A_37 : i32
    "tpu.region"() ({
      %run_scoped3A = tpu.sem_alloc : memref<!tpu.dma_semaphore, #tpu.memory_space<semaphore_mem>>
      %dma_start3A = arith.constant 0 : i32
      %dma_start3A_66 = arith.constant 0 : i32
      %dma_start3A_67 = tpu.memref_slice %arg8[%dma_start3A, %dma_start3A_66] : memref<64x128xf32, #tpu.memory_space<vmem>> -> memref<64x128xf32, #tpu.memory_space<vmem>>
      %dma_start3A_68 = arith.constant 0 : i32
      %dma_start3A_69 = tpu.memref_slice %arg6[%add3A_38, %dma_start3A_68] : memref<10000x128xf32, #tpu.memory_space<vmem_shared>> -> memref<64x128xf32, #tpu.memory_space<vmem_shared>>
      %dma_start3A_70 = arith.constant 0 : i32
      %dma_start3A_71 = tpu.memref_slice %arg6[%add3A_38, %dma_start3A_70] : memref<10000x128xf32, #tpu.memory_space<vmem_shared>> -> memref<64x128xf32, #tpu.memory_space<vmem_shared>>
      %dma_start3A_72 = arith.constant 0 : i32
      %dma_start3A_73 = arith.constant 0 : i32
      %dma_start3A_74 = tpu.memref_slice %arg8[%dma_start3A_72, %dma_start3A_73] : memref<64x128xf32, #tpu.memory_space<vmem>> -> memref<64x128xf32, #tpu.memory_space<vmem>>
      tpu.enqueue_dma source(%dma_start3A_74 : memref<64x128xf32, #tpu.memory_space<vmem>>) target(%dma_start3A_71 : memref<64x128xf32, #tpu.memory_space<vmem_shared>>) target_semaphore(%run_scoped3A : memref<!tpu.dma_semaphore, #tpu.memory_space<semaphore_mem>>)
      %dma_wait3A = arith.constant 0 : i32
      %dma_wait3A_75 = arith.constant 0 : i32
      %dma_wait3A_76 = tpu.memref_slice %arg8[%dma_wait3A, %dma_wait3A_75] : memref<64x128xf32, #tpu.memory_space<vmem>> -> memref<64x128xf32, #tpu.memory_space<vmem>>
      %dma_wait3A_77 = arith.constant 0 : i32
      %dma_wait3A_78 = tpu.memref_slice %arg6[%add3A_38, %dma_wait3A_77] : memref<10000x128xf32, #tpu.memory_space<vmem_shared>> -> memref<64x128xf32, #tpu.memory_space<vmem_shared>>
      %dma_wait3A_79 = arith.constant 0 : i32
      %dma_wait3A_80 = tpu.memref_slice %arg6[%add3A_38, %dma_wait3A_79] : memref<10000x128xf32, #tpu.memory_space<vmem_shared>> -> memref<64x128xf32, #tpu.memory_space<vmem_shared>>
      %dma_wait3A_81 = arith.constant 0 : i32
      %dma_wait3A_82 = arith.constant 0 : i32
      %dma_wait3A_83 = tpu.memref_slice %arg8[%dma_wait3A_81, %dma_wait3A_82] : memref<64x128xf32, #tpu.memory_space<vmem>> -> memref<64x128xf32, #tpu.memory_space<vmem>>
      tpu.wait_dma2 semaphore(%run_scoped3A : memref<!tpu.dma_semaphore, #tpu.memory_space<semaphore_mem>>) src(%dma_wait3A_83 : memref<64x128xf32, #tpu.memory_space<vmem>>) dst(%dma_wait3A_80 : memref<64x128xf32, #tpu.memory_space<vmem_shared>>)
      tpu.yield
    }) : () -> ()
    %add3A_39 = arith.constant 448 : i32
    %add3A_40 = arith.addi %mul3A_24, %add3A_39 : i32
    "tpu.region"() ({
      %run_scoped3A = tpu.sem_alloc : memref<!tpu.dma_semaphore, #tpu.memory_space<semaphore_mem>>
      %dma_start3A = arith.constant 0 : i32
      %dma_start3A_66 = arith.constant 0 : i32
      %dma_start3A_67 = tpu.memref_slice %arg8[%dma_start3A, %dma_start3A_66] : memref<64x128xf32, #tpu.memory_space<vmem>> -> memref<64x128xf32, #tpu.memory_space<vmem>>
      %dma_start3A_68 = arith.constant 0 : i32
      %dma_start3A_69 = tpu.memref_slice %arg6[%add3A_40, %dma_start3A_68] : memref<10000x128xf32, #tpu.memory_space<vmem_shared>> -> memref<64x128xf32, #tpu.memory_space<vmem_shared>>
      %dma_start3A_70 = arith.constant 0 : i32
      %dma_start3A_71 = tpu.memref_slice %arg6[%add3A_40, %dma_start3A_70] : memref<10000x128xf32, #tpu.memory_space<vmem_shared>> -> memref<64x128xf32, #tpu.memory_space<vmem_shared>>
      %dma_start3A_72 = arith.constant 0 : i32
      %dma_start3A_73 = arith.constant 0 : i32
      %dma_start3A_74 = tpu.memref_slice %arg8[%dma_start3A_72, %dma_start3A_73] : memref<64x128xf32, #tpu.memory_space<vmem>> -> memref<64x128xf32, #tpu.memory_space<vmem>>
      tpu.enqueue_dma source(%dma_start3A_74 : memref<64x128xf32, #tpu.memory_space<vmem>>) target(%dma_start3A_71 : memref<64x128xf32, #tpu.memory_space<vmem_shared>>) target_semaphore(%run_scoped3A : memref<!tpu.dma_semaphore, #tpu.memory_space<semaphore_mem>>)
      %dma_wait3A = arith.constant 0 : i32
      %dma_wait3A_75 = arith.constant 0 : i32
      %dma_wait3A_76 = tpu.memref_slice %arg8[%dma_wait3A, %dma_wait3A_75] : memref<64x128xf32, #tpu.memory_space<vmem>> -> memref<64x128xf32, #tpu.memory_space<vmem>>
      %dma_wait3A_77 = arith.constant 0 : i32
      %dma_wait3A_78 = tpu.memref_slice %arg6[%add3A_40, %dma_wait3A_77] : memref<10000x128xf32, #tpu.memory_space<vmem_shared>> -> memref<64x128xf32, #tpu.memory_space<vmem_shared>>
      %dma_wait3A_79 = arith.constant 0 : i32
      %dma_wait3A_80 = tpu.memref_slice %arg6[%add3A_40, %dma_wait3A_79] : memref<10000x128xf32, #tpu.memory_space<vmem_shared>> -> memref<64x128xf32, #tpu.memory_space<vmem_shared>>
      %dma_wait3A_81 = arith.constant 0 : i32
      %dma_wait3A_82 = arith.constant 0 : i32
      %dma_wait3A_83 = tpu.memref_slice %arg8[%dma_wait3A_81, %dma_wait3A_82] : memref<64x128xf32, #tpu.memory_space<vmem>> -> memref<64x128xf32, #tpu.memory_space<vmem>>
      tpu.wait_dma2 semaphore(%run_scoped3A : memref<!tpu.dma_semaphore, #tpu.memory_space<semaphore_mem>>) src(%dma_wait3A_83 : memref<64x128xf32, #tpu.memory_space<vmem>>) dst(%dma_wait3A_80 : memref<64x128xf32, #tpu.memory_space<vmem_shared>>)
      tpu.yield
    }) : () -> ()
    %add3A_41 = arith.constant 512 : i32
    %add3A_42 = arith.addi %mul3A_24, %add3A_41 : i32
    "tpu.region"() ({
      %run_scoped3A = tpu.sem_alloc : memref<!tpu.dma_semaphore, #tpu.memory_space<semaphore_mem>>
      %dma_start3A = arith.constant 0 : i32
      %dma_start3A_66 = arith.constant 0 : i32
      %dma_start3A_67 = tpu.memref_slice %arg8[%dma_start3A, %dma_start3A_66] : memref<64x128xf32, #tpu.memory_space<vmem>> -> memref<64x128xf32, #tpu.memory_space<vmem>>
      %dma_start3A_68 = arith.constant 0 : i32
      %dma_start3A_69 = tpu.memref_slice %arg6[%add3A_42, %dma_start3A_68] : memref<10000x128xf32, #tpu.memory_space<vmem_shared>> -> memref<64x128xf32, #tpu.memory_space<vmem_shared>>
      %dma_start3A_70 = arith.constant 0 : i32
      %dma_start3A_71 = tpu.memref_slice %arg6[%add3A_42, %dma_start3A_70] : memref<10000x128xf32, #tpu.memory_space<vmem_shared>> -> memref<64x128xf32, #tpu.memory_space<vmem_shared>>
      %dma_start3A_72 = arith.constant 0 : i32
      %dma_start3A_73 = arith.constant 0 : i32
      %dma_start3A_74 = tpu.memref_slice %arg8[%dma_start3A_72, %dma_start3A_73] : memref<64x128xf32, #tpu.memory_space<vmem>> -> memref<64x128xf32, #tpu.memory_space<vmem>>
      tpu.enqueue_dma source(%dma_start3A_74 : memref<64x128xf32, #tpu.memory_space<vmem>>) target(%dma_start3A_71 : memref<64x128xf32, #tpu.memory_space<vmem_shared>>) target_semaphore(%run_scoped3A : memref<!tpu.dma_semaphore, #tpu.memory_space<semaphore_mem>>)
      %dma_wait3A = arith.constant 0 : i32
      %dma_wait3A_75 = arith.constant 0 : i32
      %dma_wait3A_76 = tpu.memref_slice %arg8[%dma_wait3A, %dma_wait3A_75] : memref<64x128xf32, #tpu.memory_space<vmem>> -> memref<64x128xf32, #tpu.memory_space<vmem>>
      %dma_wait3A_77 = arith.constant 0 : i32
      %dma_wait3A_78 = tpu.memref_slice %arg6[%add3A_42, %dma_wait3A_77] : memref<10000x128xf32, #tpu.memory_space<vmem_shared>> -> memref<64x128xf32, #tpu.memory_space<vmem_shared>>
      %dma_wait3A_79 = arith.constant 0 : i32
      %dma_wait3A_80 = tpu.memref_slice %arg6[%add3A_42, %dma_wait3A_79] : memref<10000x128xf32, #tpu.memory_space<vmem_shared>> -> memref<64x128xf32, #tpu.memory_space<vmem_shared>>
      %dma_wait3A_81 = arith.constant 0 : i32
      %dma_wait3A_82 = arith.constant 0 : i32
      %dma_wait3A_83 = tpu.memref_slice %arg8[%dma_wait3A_81, %dma_wait3A_82] : memref<64x128xf32, #tpu.memory_space<vmem>> -> memref<64x128xf32, #tpu.memory_space<vmem>>
      tpu.wait_dma2 semaphore(%run_scoped3A : memref<!tpu.dma_semaphore, #tpu.memory_space<semaphore_mem>>) src(%dma_wait3A_83 : memref<64x128xf32, #tpu.memory_space<vmem>>) dst(%dma_wait3A_80 : memref<64x128xf32, #tpu.memory_space<vmem_shared>>)
      tpu.yield
    }) : () -> ()
    %add3A_43 = arith.constant 576 : i32
    %add3A_44 = arith.addi %mul3A_24, %add3A_43 : i32
    "tpu.region"() ({
      %run_scoped3A = tpu.sem_alloc : memref<!tpu.dma_semaphore, #tpu.memory_space<semaphore_mem>>
      %dma_start3A = arith.constant 0 : i32
      %dma_start3A_66 = arith.constant 0 : i32
      %dma_start3A_67 = tpu.memref_slice %arg8[%dma_start3A, %dma_start3A_66] : memref<64x128xf32, #tpu.memory_space<vmem>> -> memref<48x128xf32, #tpu.memory_space<vmem>>
      %dma_start3A_68 = arith.constant 0 : i32
      %dma_start3A_69 = tpu.memref_slice %arg6[%add3A_44, %dma_start3A_68] : memref<10000x128xf32, #tpu.memory_space<vmem_shared>> -> memref<48x128xf32, #tpu.memory_space<vmem_shared>>
      %dma_start3A_70 = arith.constant 0 : i32
      %dma_start3A_71 = tpu.memref_slice %arg6[%add3A_44, %dma_start3A_70] : memref<10000x128xf32, #tpu.memory_space<vmem_shared>> -> memref<48x128xf32, #tpu.memory_space<vmem_shared>>
      %dma_start3A_72 = arith.constant 0 : i32
      %dma_start3A_73 = arith.constant 0 : i32
      %dma_start3A_74 = tpu.memref_slice %arg8[%dma_start3A_72, %dma_start3A_73] : memref<64x128xf32, #tpu.memory_space<vmem>> -> memref<48x128xf32, #tpu.memory_space<vmem>>
      tpu.enqueue_dma source(%dma_start3A_74 : memref<48x128xf32, #tpu.memory_space<vmem>>) target(%dma_start3A_71 : memref<48x128xf32, #tpu.memory_space<vmem_shared>>) target_semaphore(%run_scoped3A : memref<!tpu.dma_semaphore, #tpu.memory_space<semaphore_mem>>)
      %dma_wait3A = arith.constant 0 : i32
      %dma_wait3A_75 = arith.constant 0 : i32
      %dma_wait3A_76 = tpu.memref_slice %arg8[%dma_wait3A, %dma_wait3A_75] : memref<64x128xf32, #tpu.memory_space<vmem>> -> memref<48x128xf32, #tpu.memory_space<vmem>>
      %dma_wait3A_77 = arith.constant 0 : i32
      %dma_wait3A_78 = tpu.memref_slice %arg6[%add3A_44, %dma_wait3A_77] : memref<10000x128xf32, #tpu.memory_space<vmem_shared>> -> memref<48x128xf32, #tpu.memory_space<vmem_shared>>
      %dma_wait3A_79 = arith.constant 0 : i32
      %dma_wait3A_80 = tpu.memref_slice %arg6[%add3A_44, %dma_wait3A_79] : memref<10000x128xf32, #tpu.memory_space<vmem_shared>> -> memref<48x128xf32, #tpu.memory_space<vmem_shared>>
      %dma_wait3A_81 = arith.constant 0 : i32
      %dma_wait3A_82 = arith.constant 0 : i32
      %dma_wait3A_83 = tpu.memref_slice %arg8[%dma_wait3A_81, %dma_wait3A_82] : memref<64x128xf32, #tpu.memory_space<vmem>> -> memref<48x128xf32, #tpu.memory_space<vmem>>
      tpu.wait_dma2 semaphore(%run_scoped3A : memref<!tpu.dma_semaphore, #tpu.memory_space<semaphore_mem>>) src(%dma_wait3A_83 : memref<48x128xf32, #tpu.memory_space<vmem>>) dst(%dma_wait3A_80 : memref<48x128xf32, #tpu.memory_space<vmem_shared>>)
      tpu.yield
    }) : () -> ()
    "tpu.region"() ({
      %run_scoped3A = tpu.sem_alloc : memref<!tpu.dma_semaphore, #tpu.memory_space<semaphore_mem>>
      %dma_start3A = tpu.memref_slice %arg7[%mul3A_24] : memref<10000xf32, #tpu.memory_space<vmem_shared>> -> memref<624xf32, #tpu.memory_space<vmem_shared>>
      %dma_start3A_66 = tpu.memref_slice %arg7[%mul3A_24] : memref<10000xf32, #tpu.memory_space<vmem_shared>> -> memref<624xf32, #tpu.memory_space<vmem_shared>>
      tpu.enqueue_dma source(%arg12 : memref<624xf32, #tpu.memory_space<vmem>>) target(%dma_start3A_66 : memref<624xf32, #tpu.memory_space<vmem_shared>>) target_semaphore(%run_scoped3A : memref<!tpu.dma_semaphore, #tpu.memory_space<semaphore_mem>>)
      %dma_wait3A = tpu.memref_slice %arg7[%mul3A_24] : memref<10000xf32, #tpu.memory_space<vmem_shared>> -> memref<624xf32, #tpu.memory_space<vmem_shared>>
      %dma_wait3A_67 = tpu.memref_slice %arg7[%mul3A_24] : memref<10000xf32, #tpu.memory_space<vmem_shared>> -> memref<624xf32, #tpu.memory_space<vmem_shared>>
      tpu.wait_dma2 semaphore(%run_scoped3A : memref<!tpu.dma_semaphore, #tpu.memory_space<semaphore_mem>>) src(%arg12 : memref<624xf32, #tpu.memory_space<vmem>>) dst(%dma_wait3A_67 : memref<624xf32, #tpu.memory_space<vmem_shared>>)
      tpu.yield
    }) : () -> ()
    %eq3A = arith.constant 15 : i32
    %eq3A_45 = arith.cmpi eq, %arg1, %eq3A : i32
    %convert_element_type3A = arith.extui %eq3A_45 : i1 to i32
    %cond3A = arith.constant 0 : i32
    %cond3A_46 = arith.cmpi ne, %convert_element_type3A, %cond3A : i32
    scf.if %cond3A_46 {
      "tpu.region"() ({
        %run_scoped3A = tpu.sem_alloc : memref<!tpu.dma_semaphore, #tpu.memory_space<semaphore_mem>>
        %dma_start3A = arith.constant 0 : i32
        %dma_start3A_66 = arith.constant 0 : i32
        %dma_start3A_67 = tpu.memref_slice %arg8[%dma_start3A, %dma_start3A_66] : memref<64x128xf32, #tpu.memory_space<vmem>> -> memref<16x128xf32, #tpu.memory_space<vmem>>
        %dma_start3A_68 = arith.constant 9984 : i32
        %dma_start3A_69 = arith.constant 0 : i32
        %dma_start3A_70 = tpu.memref_slice %arg6[%dma_start3A_68, %dma_start3A_69] : memref<10000x128xf32, #tpu.memory_space<vmem_shared>> -> memref<16x128xf32, #tpu.memory_space<vmem_shared>>
        %dma_start3A_71 = arith.constant 9984 : i32
        %dma_start3A_72 = arith.constant 0 : i32
        %dma_start3A_73 = tpu.memref_slice %arg6[%dma_start3A_71, %dma_start3A_72] : memref<10000x128xf32, #tpu.memory_space<vmem_shared>> -> memref<16x128xf32, #tpu.memory_space<vmem_shared>>
        %dma_start3A_74 = arith.constant 0 : i32
        %dma_start3A_75 = arith.constant 0 : i32
        %dma_start3A_76 = tpu.memref_slice %arg8[%dma_start3A_74, %dma_start3A_75] : memref<64x128xf32, #tpu.memory_space<vmem>> -> memref<16x128xf32, #tpu.memory_space<vmem>>
        tpu.enqueue_dma source(%dma_start3A_76 : memref<16x128xf32, #tpu.memory_space<vmem>>) target(%dma_start3A_73 : memref<16x128xf32, #tpu.memory_space<vmem_shared>>) target_semaphore(%run_scoped3A : memref<!tpu.dma_semaphore, #tpu.memory_space<semaphore_mem>>)
        %dma_wait3A = arith.constant 0 : i32
        %dma_wait3A_77 = arith.constant 0 : i32
        %dma_wait3A_78 = tpu.memref_slice %arg8[%dma_wait3A, %dma_wait3A_77] : memref<64x128xf32, #tpu.memory_space<vmem>> -> memref<16x128xf32, #tpu.memory_space<vmem>>
        %dma_wait3A_79 = arith.constant 9984 : i32
        %dma_wait3A_80 = arith.constant 0 : i32
        %dma_wait3A_81 = tpu.memref_slice %arg6[%dma_wait3A_79, %dma_wait3A_80] : memref<10000x128xf32, #tpu.memory_space<vmem_shared>> -> memref<16x128xf32, #tpu.memory_space<vmem_shared>>
        %dma_wait3A_82 = arith.constant 9984 : i32
        %dma_wait3A_83 = arith.constant 0 : i32
        %dma_wait3A_84 = tpu.memref_slice %arg6[%dma_wait3A_82, %dma_wait3A_83] : memref<10000x128xf32, #tpu.memory_space<vmem_shared>> -> memref<16x128xf32, #tpu.memory_space<vmem_shared>>
        %dma_wait3A_85 = arith.constant 0 : i32
        %dma_wait3A_86 = arith.constant 0 : i32
        %dma_wait3A_87 = tpu.memref_slice %arg8[%dma_wait3A_85, %dma_wait3A_86] : memref<64x128xf32, #tpu.memory_space<vmem>> -> memref<16x128xf32, #tpu.memory_space<vmem>>
        tpu.wait_dma2 semaphore(%run_scoped3A : memref<!tpu.dma_semaphore, #tpu.memory_space<semaphore_mem>>) src(%dma_wait3A_87 : memref<16x128xf32, #tpu.memory_space<vmem>>) dst(%dma_wait3A_84 : memref<16x128xf32, #tpu.memory_space<vmem_shared>>)
        tpu.yield
      }) : () -> ()
      "tpu.region"() ({
        %run_scoped3A = tpu.sem_alloc : memref<!tpu.dma_semaphore, #tpu.memory_space<semaphore_mem>>
        %dma_start3A = arith.constant 0 : i32
        %dma_start3A_66 = tpu.memref_slice %arg12[%dma_start3A] : memref<624xf32, #tpu.memory_space<vmem>> -> memref<16xf32, #tpu.memory_space<vmem>>
        %dma_start3A_67 = arith.constant 9984 : i32
        %dma_start3A_68 = tpu.memref_slice %arg7[%dma_start3A_67] : memref<10000xf32, #tpu.memory_space<vmem_shared>> -> memref<16xf32, #tpu.memory_space<vmem_shared>>
        %dma_start3A_69 = arith.constant 9984 : i32
        %dma_start3A_70 = tpu.memref_slice %arg7[%dma_start3A_69] : memref<10000xf32, #tpu.memory_space<vmem_shared>> -> memref<16xf32, #tpu.memory_space<vmem_shared>>
        %dma_start3A_71 = arith.constant 0 : i32
        %dma_start3A_72 = tpu.memref_slice %arg12[%dma_start3A_71] : memref<624xf32, #tpu.memory_space<vmem>> -> memref<16xf32, #tpu.memory_space<vmem>>
        tpu.enqueue_dma source(%dma_start3A_72 : memref<16xf32, #tpu.memory_space<vmem>>) target(%dma_start3A_70 : memref<16xf32, #tpu.memory_space<vmem_shared>>) target_semaphore(%run_scoped3A : memref<!tpu.dma_semaphore, #tpu.memory_space<semaphore_mem>>)
        %dma_wait3A = arith.constant 0 : i32
        %dma_wait3A_73 = tpu.memref_slice %arg12[%dma_wait3A] : memref<624xf32, #tpu.memory_space<vmem>> -> memref<16xf32, #tpu.memory_space<vmem>>
        %dma_wait3A_74 = arith.constant 9984 : i32
        %dma_wait3A_75 = tpu.memref_slice %arg7[%dma_wait3A_74] : memref<10000xf32, #tpu.memory_space<vmem_shared>> -> memref<16xf32, #tpu.memory_space<vmem_shared>>
        %dma_wait3A_76 = arith.constant 9984 : i32
        %dma_wait3A_77 = tpu.memref_slice %arg7[%dma_wait3A_76] : memref<10000xf32, #tpu.memory_space<vmem_shared>> -> memref<16xf32, #tpu.memory_space<vmem_shared>>
        %dma_wait3A_78 = arith.constant 0 : i32
        %dma_wait3A_79 = tpu.memref_slice %arg12[%dma_wait3A_78] : memref<624xf32, #tpu.memory_space<vmem>> -> memref<16xf32, #tpu.memory_space<vmem>>
        tpu.wait_dma2 semaphore(%run_scoped3A : memref<!tpu.dma_semaphore, #tpu.memory_space<semaphore_mem>>) src(%dma_wait3A_79 : memref<16xf32, #tpu.memory_space<vmem>>) dst(%dma_wait3A_77 : memref<16xf32, #tpu.memory_space<vmem_shared>>)
        tpu.yield
      }) : () -> ()
    } else {
    }
    %barrier3A = arith.constant 0 : index
    tpu.barrier barrier_id(%barrier3A)
    %mul3A_47 = arith.constant 10000 : i32
    %mul3A_48 = arith.muli %add3A, %mul3A_47 : i32
    %scan3A_49 = arith.constant 0 : i32
    %scan3A_50 = arith.constant 0 : i32
    %scan3A_51 = arith.constant 156 : i32
    %scan3A_52 = arith.addi %scan3A_50, %scan3A_51 : i32
    %scan3A_53 = arith.constant 1 : i32
    scf.for %scan3A_66 = %scan3A_50 to %scan3A_52 step %scan3A_53  : i32 {
      %mul3A_67 = arith.constant 64 : i32
      %mul3A_68 = arith.muli %scan3A_66, %mul3A_67 : i32
      %add3A_69 = arith.addi %mul3A_48, %mul3A_68 : i32
      "tpu.region"() ({
        %run_scoped3A = tpu.sem_alloc : memref<!tpu.dma_semaphore, #tpu.memory_space<semaphore_mem>>
        %dma_start3A = tpu.memref_slice %arg3[%add3A_69] : memref<320000xi32, #tpu.memory_space<hbm>> -> memref<64xi32, #tpu.memory_space<hbm>>
        %dma_start3A_70 = tpu.memref_slice %arg3[%add3A_69] : memref<320000xi32, #tpu.memory_space<hbm>> -> memref<64xi32, #tpu.memory_space<hbm>>
        tpu.enqueue_dma source(%dma_start3A_70 : memref<64xi32, #tpu.memory_space<hbm>>) target(%arg10 : memref<64xi32, #tpu.memory_space<vmem>>) target_semaphore(%run_scoped3A : memref<!tpu.dma_semaphore, #tpu.memory_space<semaphore_mem>>)
        %dma_wait3A = tpu.memref_slice %arg3[%add3A_69] : memref<320000xi32, #tpu.memory_space<hbm>> -> memref<64xi32, #tpu.memory_space<hbm>>
        %dma_wait3A_71 = tpu.memref_slice %arg3[%add3A_69] : memref<320000xi32, #tpu.memory_space<hbm>> -> memref<64xi32, #tpu.memory_space<hbm>>
        tpu.wait_dma2 semaphore(%run_scoped3A : memref<!tpu.dma_semaphore, #tpu.memory_space<semaphore_mem>>) src(%dma_wait3A_71 : memref<64xi32, #tpu.memory_space<hbm>>) dst(%arg10 : memref<64xi32, #tpu.memory_space<vmem>>)
        tpu.yield
      }) : () -> ()
      "tpu.region"() ({
        %run_scoped3A = tpu.sem_alloc : memref<!tpu.dma_semaphore, #tpu.memory_space<semaphore_mem>>
        %dma_start3A = arith.constant 0 : i32
        %dma_start3A_70 = tpu.memref_slice %arg2[%add3A_69, %dma_start3A] : memref<320000x128xf32, #tpu.memory_space<hbm>> -> memref<64x128xf32, #tpu.memory_space<hbm>>
        %dma_start3A_71 = arith.constant 0 : i32
        %dma_start3A_72 = tpu.memref_slice %arg2[%add3A_69, %dma_start3A_71] : memref<320000x128xf32, #tpu.memory_space<hbm>> -> memref<64x128xf32, #tpu.memory_space<hbm>>
        tpu.enqueue_dma source(%dma_start3A_72 : memref<64x128xf32, #tpu.memory_space<hbm>>) target(%arg8 : memref<64x128xf32, #tpu.memory_space<vmem>>) target_semaphore(%run_scoped3A : memref<!tpu.dma_semaphore, #tpu.memory_space<semaphore_mem>>)
        %dma_wait3A = arith.constant 0 : i32
        %dma_wait3A_73 = tpu.memref_slice %arg2[%add3A_69, %dma_wait3A] : memref<320000x128xf32, #tpu.memory_space<hbm>> -> memref<64x128xf32, #tpu.memory_space<hbm>>
        %dma_wait3A_74 = arith.constant 0 : i32
        %dma_wait3A_75 = tpu.memref_slice %arg2[%add3A_69, %dma_wait3A_74] : memref<320000x128xf32, #tpu.memory_space<hbm>> -> memref<64x128xf32, #tpu.memory_space<hbm>>
        tpu.wait_dma2 semaphore(%run_scoped3A : memref<!tpu.dma_semaphore, #tpu.memory_space<semaphore_mem>>) src(%dma_wait3A_75 : memref<64x128xf32, #tpu.memory_space<hbm>>) dst(%arg8 : memref<64x128xf32, #tpu.memory_space<vmem>>)
        tpu.yield
      }) : () -> ()
      "tpu.region"() ({
        %run_scoped3A = tpu.sem_alloc : memref<!tpu.dma_semaphore, #tpu.memory_space<semaphore_mem>>
        %dma_start3A = arith.constant 0 : i32
        %dma_start3A_70 = arith.constant 0 : i32
        %dma_start3A_71 = tpu.memref_slice %arg6[%dma_start3A, %dma_start3A_70] : memref<10000x128xf32, #tpu.memory_space<vmem_shared>> -> memref<10000x128xf32, #tpu.memory_space<vmem_shared>>
        tpu.enqueue_indirect_dma source(%arg8 : memref<64x128xf32, #tpu.memory_space<vmem>>) target(%dma_start3A_71 : memref<10000x128xf32, #tpu.memory_space<vmem_shared>>) offsets(%arg10 : memref<64xi32, #tpu.memory_space<vmem>>) semaphore(%run_scoped3A : memref<!tpu.dma_semaphore, #tpu.memory_space<semaphore_mem>>) {add = true}
        %dma_wait3A = arith.constant 0 : i32
        %dma_wait3A_72 = arith.constant 0 : i32
        %dma_wait3A_73 = tpu.memref_slice %arg6[%dma_wait3A, %dma_wait3A_72] : memref<10000x128xf32, #tpu.memory_space<vmem_shared>> -> memref<10000x128xf32, #tpu.memory_space<vmem_shared>>
        tpu.wait_indirect_dma semaphore(%run_scoped3A : memref<!tpu.dma_semaphore, #tpu.memory_space<semaphore_mem>>) src(%arg8 : memref<64x128xf32, #tpu.memory_space<vmem>>) dst(%dma_wait3A_73 : memref<10000x128xf32, #tpu.memory_space<vmem_shared>>)
        tpu.yield
      }) : () -> ()
      "tpu.region"() ({
        %run_scoped3A = tpu.sem_alloc : memref<!tpu.dma_semaphore, #tpu.memory_space<semaphore_mem>>
        %dma_start3A = arith.constant 0 : i32
        %dma_start3A_70 = tpu.memref_slice %arg7[%dma_start3A] : memref<10000xf32, #tpu.memory_space<vmem_shared>> -> memref<10000xf32, #tpu.memory_space<vmem_shared>>
        tpu.enqueue_indirect_dma source(%arg11 : memref<64xf32, #tpu.memory_space<vmem>>) target(%dma_start3A_70 : memref<10000xf32, #tpu.memory_space<vmem_shared>>) offsets(%arg10 : memref<64xi32, #tpu.memory_space<vmem>>) semaphore(%run_scoped3A : memref<!tpu.dma_semaphore, #tpu.memory_space<semaphore_mem>>) {add = true}
        %dma_wait3A = arith.constant 0 : i32
        %dma_wait3A_71 = tpu.memref_slice %arg7[%dma_wait3A] : memref<10000xf32, #tpu.memory_space<vmem_shared>> -> memref<10000xf32, #tpu.memory_space<vmem_shared>>
        tpu.wait_indirect_dma semaphore(%run_scoped3A : memref<!tpu.dma_semaphore, #tpu.memory_space<semaphore_mem>>) src(%arg11 : memref<64xf32, #tpu.memory_space<vmem>>) dst(%dma_wait3A_71 : memref<10000xf32, #tpu.memory_space<vmem_shared>>)
        tpu.yield
      }) : () -> ()
    }
    %scan3A_54 = arith.constant 156 : i32
    %add3A_55 = arith.constant 9984 : i32
    %add3A_56 = arith.addi %mul3A_48, %add3A_55 : i32
    "tpu.region"() ({
      %run_scoped3A = tpu.sem_alloc : memref<!tpu.dma_semaphore, #tpu.memory_space<semaphore_mem>>
      %dma_start3A = tpu.memref_slice %arg3[%add3A_56] : memref<320000xi32, #tpu.memory_space<hbm>> -> memref<16xi32, #tpu.memory_space<hbm>>
      %dma_start3A_66 = tpu.memref_slice %arg3[%add3A_56] : memref<320000xi32, #tpu.memory_space<hbm>> -> memref<16xi32, #tpu.memory_space<hbm>>
      tpu.enqueue_dma source(%dma_start3A_66 : memref<16xi32, #tpu.memory_space<hbm>>) target(%arg9 : memref<16xi32, #tpu.memory_space<vmem>>) target_semaphore(%run_scoped3A : memref<!tpu.dma_semaphore, #tpu.memory_space<semaphore_mem>>)
      %dma_wait3A = tpu.memref_slice %arg3[%add3A_56] : memref<320000xi32, #tpu.memory_space<hbm>> -> memref<16xi32, #tpu.memory_space<hbm>>
      %dma_wait3A_67 = tpu.memref_slice %arg3[%add3A_56] : memref<320000xi32, #tpu.memory_space<hbm>> -> memref<16xi32, #tpu.memory_space<hbm>>
      tpu.wait_dma2 semaphore(%run_scoped3A : memref<!tpu.dma_semaphore, #tpu.memory_space<semaphore_mem>>) src(%dma_wait3A_67 : memref<16xi32, #tpu.memory_space<hbm>>) dst(%arg9 : memref<16xi32, #tpu.memory_space<vmem>>)
      tpu.yield
    }) : () -> ()
    "tpu.region"() ({
      %run_scoped3A = tpu.sem_alloc : memref<!tpu.dma_semaphore, #tpu.memory_space<semaphore_mem>>
      %dma_start3A = arith.constant 0 : i32
      %dma_start3A_66 = arith.constant 0 : i32
      %dma_start3A_67 = tpu.memref_slice %arg8[%dma_start3A, %dma_start3A_66] : memref<64x128xf32, #tpu.memory_space<vmem>> -> memref<16x128xf32, #tpu.memory_space<vmem>>
      %dma_start3A_68 = arith.constant 0 : i32
      %dma_start3A_69 = tpu.memref_slice %arg2[%add3A_56, %dma_start3A_68] : memref<320000x128xf32, #tpu.memory_space<hbm>> -> memref<16x128xf32, #tpu.memory_space<hbm>>
      %dma_start3A_70 = arith.constant 0 : i32
      %dma_start3A_71 = arith.constant 0 : i32
      %dma_start3A_72 = tpu.memref_slice %arg8[%dma_start3A_70, %dma_start3A_71] : memref<64x128xf32, #tpu.memory_space<vmem>> -> memref<16x128xf32, #tpu.memory_space<vmem>>
      %dma_start3A_73 = arith.constant 0 : i32
      %dma_start3A_74 = tpu.memref_slice %arg2[%add3A_56, %dma_start3A_73] : memref<320000x128xf32, #tpu.memory_space<hbm>> -> memref<16x128xf32, #tpu.memory_space<hbm>>
      tpu.enqueue_dma source(%dma_start3A_74 : memref<16x128xf32, #tpu.memory_space<hbm>>) target(%dma_start3A_72 : memref<16x128xf32, #tpu.memory_space<vmem>>) target_semaphore(%run_scoped3A : memref<!tpu.dma_semaphore, #tpu.memory_space<semaphore_mem>>)
      %dma_wait3A = arith.constant 0 : i32
      %dma_wait3A_75 = arith.constant 0 : i32
      %dma_wait3A_76 = tpu.memref_slice %arg8[%dma_wait3A, %dma_wait3A_75] : memref<64x128xf32, #tpu.memory_space<vmem>> -> memref<16x128xf32, #tpu.memory_space<vmem>>
      %dma_wait3A_77 = arith.constant 0 : i32
      %dma_wait3A_78 = tpu.memref_slice %arg2[%add3A_56, %dma_wait3A_77] : memref<320000x128xf32, #tpu.memory_space<hbm>> -> memref<16x128xf32, #tpu.memory_space<hbm>>
      %dma_wait3A_79 = arith.constant 0 : i32
      %dma_wait3A_80 = arith.constant 0 : i32
      %dma_wait3A_81 = tpu.memref_slice %arg8[%dma_wait3A_79, %dma_wait3A_80] : memref<64x128xf32, #tpu.memory_space<vmem>> -> memref<16x128xf32, #tpu.memory_space<vmem>>
      %dma_wait3A_82 = arith.constant 0 : i32
      %dma_wait3A_83 = tpu.memref_slice %arg2[%add3A_56, %dma_wait3A_82] : memref<320000x128xf32, #tpu.memory_space<hbm>> -> memref<16x128xf32, #tpu.memory_space<hbm>>
      tpu.wait_dma2 semaphore(%run_scoped3A : memref<!tpu.dma_semaphore, #tpu.memory_space<semaphore_mem>>) src(%dma_wait3A_83 : memref<16x128xf32, #tpu.memory_space<hbm>>) dst(%dma_wait3A_81 : memref<16x128xf32, #tpu.memory_space<vmem>>)
      tpu.yield
    }) : () -> ()
    "tpu.region"() ({
      %run_scoped3A = tpu.sem_alloc : memref<!tpu.dma_semaphore, #tpu.memory_space<semaphore_mem>>
      %dma_start3A = arith.constant 0 : i32
      %dma_start3A_66 = arith.constant 0 : i32
      %dma_start3A_67 = tpu.memref_slice %arg8[%dma_start3A, %dma_start3A_66] : memref<64x128xf32, #tpu.memory_space<vmem>> -> memref<16x128xf32, #tpu.memory_space<vmem>>
      %dma_start3A_68 = arith.constant 0 : i32
      %dma_start3A_69 = arith.constant 0 : i32
      %dma_start3A_70 = tpu.memref_slice %arg6[%dma_start3A_68, %dma_start3A_69] : memref<10000x128xf32, #tpu.memory_space<vmem_shared>> -> memref<10000x128xf32, #tpu.memory_space<vmem_shared>>
      tpu.enqueue_indirect_dma source(%dma_start3A_67 : memref<16x128xf32, #tpu.memory_space<vmem>>) target(%dma_start3A_70 : memref<10000x128xf32, #tpu.memory_space<vmem_shared>>) offsets(%arg9 : memref<16xi32, #tpu.memory_space<vmem>>) semaphore(%run_scoped3A : memref<!tpu.dma_semaphore, #tpu.memory_space<semaphore_mem>>) {add = true}
      %dma_wait3A = arith.constant 0 : i32
      %dma_wait3A_71 = arith.constant 0 : i32
      %dma_wait3A_72 = tpu.memref_slice %arg8[%dma_wait3A, %dma_wait3A_71] : memref<64x128xf32, #tpu.memory_space<vmem>> -> memref<16x128xf32, #tpu.memory_space<vmem>>
      %dma_wait3A_73 = arith.constant 0 : i32
      %dma_wait3A_74 = arith.constant 0 : i32
      %dma_wait3A_75 = tpu.memref_slice %arg6[%dma_wait3A_73, %dma_wait3A_74] : memref<10000x128xf32, #tpu.memory_space<vmem_shared>> -> memref<10000x128xf32, #tpu.memory_space<vmem_shared>>
      tpu.wait_indirect_dma semaphore(%run_scoped3A : memref<!tpu.dma_semaphore, #tpu.memory_space<semaphore_mem>>) src(%dma_wait3A_72 : memref<16x128xf32, #tpu.memory_space<vmem>>) dst(%dma_wait3A_75 : memref<10000x128xf32, #tpu.memory_space<vmem_shared>>)
      tpu.yield
    }) : () -> ()
    "tpu.region"() ({
      %run_scoped3A = tpu.sem_alloc : memref<!tpu.dma_semaphore, #tpu.memory_space<semaphore_mem>>
      %dma_start3A = arith.constant 0 : i32
      %dma_start3A_66 = tpu.memref_slice %arg11[%dma_start3A] : memref<64xf32, #tpu.memory_space<vmem>> -> memref<16xf32, #tpu.memory_space<vmem>>
      %dma_start3A_67 = arith.constant 0 : i32
      %dma_start3A_68 = tpu.memref_slice %arg7[%dma_start3A_67] : memref<10000xf32, #tpu.memory_space<vmem_shared>> -> memref<10000xf32, #tpu.memory_space<vmem_shared>>
      tpu.enqueue_indirect_dma source(%dma_start3A_66 : memref<16xf32, #tpu.memory_space<vmem>>) target(%dma_start3A_68 : memref<10000xf32, #tpu.memory_space<vmem_shared>>) offsets(%arg9 : memref<16xi32, #tpu.memory_space<vmem>>) semaphore(%run_scoped3A : memref<!tpu.dma_semaphore, #tpu.memory_space<semaphore_mem>>) {add = true}
      %dma_wait3A = arith.constant 0 : i32
      %dma_wait3A_69 = tpu.memref_slice %arg11[%dma_wait3A] : memref<64xf32, #tpu.memory_space<vmem>> -> memref<16xf32, #tpu.memory_space<vmem>>
      %dma_wait3A_70 = arith.constant 0 : i32
      %dma_wait3A_71 = tpu.memref_slice %arg7[%dma_wait3A_70] : memref<10000xf32, #tpu.memory_space<vmem_shared>> -> memref<10000xf32, #tpu.memory_space<vmem_shared>>
      tpu.wait_indirect_dma semaphore(%run_scoped3A : memref<!tpu.dma_semaphore, #tpu.memory_space<semaphore_mem>>) src(%dma_wait3A_69 : memref<16xf32, #tpu.memory_space<vmem>>) dst(%dma_wait3A_71 : memref<10000xf32, #tpu.memory_space<vmem_shared>>)
      tpu.yield
    }) : () -> ()
    %barrier3A_57 = arith.constant 0 : index
    tpu.barrier barrier_id(%barrier3A_57)
    "tpu.region"() ({
      %run_scoped3A = tpu.sem_alloc : memref<!tpu.dma_semaphore, #tpu.memory_space<semaphore_mem>>
      %dma_start3A = arith.constant 0 : i32
      %dma_start3A_66 = tpu.memref_slice %arg4[%arg0, %mul3A_24, %dma_start3A] : memref<2x10000x128xf32, #tpu.memory_space<hbm>> -> memref<1x624x128xf32, #tpu.memory_space<hbm>>
      %dma_start3A_67 = tpu.memref_squeeze %dma_start3A_66 : memref<1x624x128xf32, #tpu.memory_space<hbm>> -> memref<624x128xf32, #tpu.memory_space<hbm>>
      %dma_start3A_68 = arith.constant 0 : i32
      %dma_start3A_69 = tpu.memref_slice %arg6[%mul3A_24, %dma_start3A_68] : memref<10000x128xf32, #tpu.memory_space<vmem_shared>> -> memref<624x128xf32, #tpu.memory_space<vmem_shared>>
      tpu.enqueue_dma source(%dma_start3A_69 : memref<624x128xf32, #tpu.memory_space<vmem_shared>>) target(%dma_start3A_67 : memref<624x128xf32, #tpu.memory_space<hbm>>) target_semaphore(%run_scoped3A : memref<!tpu.dma_semaphore, #tpu.memory_space<semaphore_mem>>)
      %dma_wait3A = arith.constant 0 : i32
      %dma_wait3A_70 = tpu.memref_slice %arg4[%arg0, %mul3A_24, %dma_wait3A] : memref<2x10000x128xf32, #tpu.memory_space<hbm>> -> memref<1x624x128xf32, #tpu.memory_space<hbm>>
      %dma_wait3A_71 = tpu.memref_squeeze %dma_wait3A_70 : memref<1x624x128xf32, #tpu.memory_space<hbm>> -> memref<624x128xf32, #tpu.memory_space<hbm>>
      %dma_wait3A_72 = arith.constant 0 : i32
      %dma_wait3A_73 = tpu.memref_slice %arg6[%mul3A_24, %dma_wait3A_72] : memref<10000x128xf32, #tpu.memory_space<vmem_shared>> -> memref<624x128xf32, #tpu.memory_space<vmem_shared>>
      tpu.wait_dma2 semaphore(%run_scoped3A : memref<!tpu.dma_semaphore, #tpu.memory_space<semaphore_mem>>) src(%dma_wait3A_73 : memref<624x128xf32, #tpu.memory_space<vmem_shared>>) dst(%dma_wait3A_71 : memref<624x128xf32, #tpu.memory_space<hbm>>)
      tpu.yield
    }) : () -> ()
    "tpu.region"() ({
      %run_scoped3A = tpu.sem_alloc : memref<!tpu.dma_semaphore, #tpu.memory_space<semaphore_mem>>
      %dma_start3A = tpu.memref_slice %arg7[%mul3A_24] : memref<10000xf32, #tpu.memory_space<vmem_shared>> -> memref<624xf32, #tpu.memory_space<vmem_shared>>
      %dma_start3A_66 = tpu.memref_slice %arg7[%mul3A_24] : memref<10000xf32, #tpu.memory_space<vmem_shared>> -> memref<624xf32, #tpu.memory_space<vmem_shared>>
      tpu.enqueue_dma source(%dma_start3A_66 : memref<624xf32, #tpu.memory_space<vmem_shared>>) target(%arg12 : memref<624xf32, #tpu.memory_space<vmem>>) target_semaphore(%run_scoped3A : memref<!tpu.dma_semaphore, #tpu.memory_space<semaphore_mem>>)
      %dma_wait3A = tpu.memref_slice %arg7[%mul3A_24] : memref<10000xf32, #tpu.memory_space<vmem_shared>> -> memref<624xf32, #tpu.memory_space<vmem_shared>>
      %dma_wait3A_67 = tpu.memref_slice %arg7[%mul3A_24] : memref<10000xf32, #tpu.memory_space<vmem_shared>> -> memref<624xf32, #tpu.memory_space<vmem_shared>>
      tpu.wait_dma2 semaphore(%run_scoped3A : memref<!tpu.dma_semaphore, #tpu.memory_space<semaphore_mem>>) src(%dma_wait3A_67 : memref<624xf32, #tpu.memory_space<vmem_shared>>) dst(%arg12 : memref<624xf32, #tpu.memory_space<vmem>>)
      tpu.yield
    }) : () -> ()
    %mul3A_58 = arith.constant 10240 : i32
    %mul3A_59 = arith.muli %arg0, %mul3A_58 : i32
    %add3A_60 = arith.addi %mul3A_59, %mul3A_24 : i32
    "tpu.region"() ({
      %run_scoped3A = tpu.sem_alloc : memref<!tpu.dma_semaphore, #tpu.memory_space<semaphore_mem>>
      %dma_start3A = tpu.memref_slice %arg5[%add3A_60] : memref<20480xf32, #tpu.memory_space<hbm>> -> memref<624xf32, #tpu.memory_space<hbm>>
      %dma_start3A_66 = tpu.memref_slice %arg5[%add3A_60] : memref<20480xf32, #tpu.memory_space<hbm>> -> memref<624xf32, #tpu.memory_space<hbm>>
      tpu.enqueue_dma source(%arg12 : memref<624xf32, #tpu.memory_space<vmem>>) target(%dma_start3A_66 : memref<624xf32, #tpu.memory_space<hbm>>) target_semaphore(%run_scoped3A : memref<!tpu.dma_semaphore, #tpu.memory_space<semaphore_mem>>)
      %dma_wait3A = tpu.memref_slice %arg5[%add3A_60] : memref<20480xf32, #tpu.memory_space<hbm>> -> memref<624xf32, #tpu.memory_space<hbm>>
      %dma_wait3A_67 = tpu.memref_slice %arg5[%add3A_60] : memref<20480xf32, #tpu.memory_space<hbm>> -> memref<624xf32, #tpu.memory_space<hbm>>
      tpu.wait_dma2 semaphore(%run_scoped3A : memref<!tpu.dma_semaphore, #tpu.memory_space<semaphore_mem>>) src(%arg12 : memref<624xf32, #tpu.memory_space<vmem>>) dst(%dma_wait3A_67 : memref<624xf32, #tpu.memory_space<hbm>>)
      tpu.yield
    }) : () -> ()
    %eq3A_61 = arith.constant 15 : i32
    %eq3A_62 = arith.cmpi eq, %arg1, %eq3A_61 : i32
    %convert_element_type3A_63 = arith.extui %eq3A_62 : i1 to i32
    %cond3A_64 = arith.constant 0 : i32
    %cond3A_65 = arith.cmpi ne, %convert_element_type3A_63, %cond3A_64 : i32
    scf.if %cond3A_65 {
      "tpu.region"() ({
        %run_scoped3A = tpu.sem_alloc : memref<!tpu.dma_semaphore, #tpu.memory_space<semaphore_mem>>
        %dma_start3A = arith.constant 9984 : i32
        %dma_start3A_70 = arith.constant 0 : i32
        %dma_start3A_71 = tpu.memref_slice %arg4[%arg0, %dma_start3A, %dma_start3A_70] : memref<2x10000x128xf32, #tpu.memory_space<hbm>> -> memref<1x16x128xf32, #tpu.memory_space<hbm>>
        %dma_start3A_72 = tpu.memref_squeeze %dma_start3A_71 : memref<1x16x128xf32, #tpu.memory_space<hbm>> -> memref<16x128xf32, #tpu.memory_space<hbm>>
        %dma_start3A_73 = arith.constant 9984 : i32
        %dma_start3A_74 = arith.constant 0 : i32
        %dma_start3A_75 = tpu.memref_slice %arg6[%dma_start3A_73, %dma_start3A_74] : memref<10000x128xf32, #tpu.memory_space<vmem_shared>> -> memref<16x128xf32, #tpu.memory_space<vmem_shared>>
        tpu.enqueue_dma source(%dma_start3A_75 : memref<16x128xf32, #tpu.memory_space<vmem_shared>>) target(%dma_start3A_72 : memref<16x128xf32, #tpu.memory_space<hbm>>) target_semaphore(%run_scoped3A : memref<!tpu.dma_semaphore, #tpu.memory_space<semaphore_mem>>)
        %dma_wait3A = arith.constant 9984 : i32
        %dma_wait3A_76 = arith.constant 0 : i32
        %dma_wait3A_77 = tpu.memref_slice %arg4[%arg0, %dma_wait3A, %dma_wait3A_76] : memref<2x10000x128xf32, #tpu.memory_space<hbm>> -> memref<1x16x128xf32, #tpu.memory_space<hbm>>
        %dma_wait3A_78 = tpu.memref_squeeze %dma_wait3A_77 : memref<1x16x128xf32, #tpu.memory_space<hbm>> -> memref<16x128xf32, #tpu.memory_space<hbm>>
        %dma_wait3A_79 = arith.constant 9984 : i32
        %dma_wait3A_80 = arith.constant 0 : i32
        %dma_wait3A_81 = tpu.memref_slice %arg6[%dma_wait3A_79, %dma_wait3A_80] : memref<10000x128xf32, #tpu.memory_space<vmem_shared>> -> memref<16x128xf32, #tpu.memory_space<vmem_shared>>
        tpu.wait_dma2 semaphore(%run_scoped3A : memref<!tpu.dma_semaphore, #tpu.memory_space<semaphore_mem>>) src(%dma_wait3A_81 : memref<16x128xf32, #tpu.memory_space<vmem_shared>>) dst(%dma_wait3A_78 : memref<16x128xf32, #tpu.memory_space<hbm>>)
        tpu.yield
      }) : () -> ()
      "tpu.region"() ({
        %run_scoped3A = tpu.sem_alloc : memref<!tpu.dma_semaphore, #tpu.memory_space<semaphore_mem>>
        %dma_start3A = arith.constant 0 : i32
        %dma_start3A_70 = tpu.memref_slice %arg12[%dma_start3A] : memref<624xf32, #tpu.memory_space<vmem>> -> memref<16xf32, #tpu.memory_space<vmem>>
        %dma_start3A_71 = arith.constant 9984 : i32
        %dma_start3A_72 = tpu.memref_slice %arg7[%dma_start3A_71] : memref<10000xf32, #tpu.memory_space<vmem_shared>> -> memref<16xf32, #tpu.memory_space<vmem_shared>>
        %dma_start3A_73 = arith.constant 0 : i32
        %dma_start3A_74 = tpu.memref_slice %arg12[%dma_start3A_73] : memref<624xf32, #tpu.memory_space<vmem>> -> memref<16xf32, #tpu.memory_space<vmem>>
        %dma_start3A_75 = arith.constant 9984 : i32
        %dma_start3A_76 = tpu.memref_slice %arg7[%dma_start3A_75] : memref<10000xf32, #tpu.memory_space<vmem_shared>> -> memref<16xf32, #tpu.memory_space<vmem_shared>>
        tpu.enqueue_dma source(%dma_start3A_76 : memref<16xf32, #tpu.memory_space<vmem_shared>>) target(%dma_start3A_74 : memref<16xf32, #tpu.memory_space<vmem>>) target_semaphore(%run_scoped3A : memref<!tpu.dma_semaphore, #tpu.memory_space<semaphore_mem>>)
        %dma_wait3A = arith.constant 0 : i32
        %dma_wait3A_77 = tpu.memref_slice %arg12[%dma_wait3A] : memref<624xf32, #tpu.memory_space<vmem>> -> memref<16xf32, #tpu.memory_space<vmem>>
        %dma_wait3A_78 = arith.constant 9984 : i32
        %dma_wait3A_79 = tpu.memref_slice %arg7[%dma_wait3A_78] : memref<10000xf32, #tpu.memory_space<vmem_shared>> -> memref<16xf32, #tpu.memory_space<vmem_shared>>
        %dma_wait3A_80 = arith.constant 0 : i32
        %dma_wait3A_81 = tpu.memref_slice %arg12[%dma_wait3A_80] : memref<624xf32, #tpu.memory_space<vmem>> -> memref<16xf32, #tpu.memory_space<vmem>>
        %dma_wait3A_82 = arith.constant 9984 : i32
        %dma_wait3A_83 = tpu.memref_slice %arg7[%dma_wait3A_82] : memref<10000xf32, #tpu.memory_space<vmem_shared>> -> memref<16xf32, #tpu.memory_space<vmem_shared>>
        tpu.wait_dma2 semaphore(%run_scoped3A : memref<!tpu.dma_semaphore, #tpu.memory_space<semaphore_mem>>) src(%dma_wait3A_83 : memref<16xf32, #tpu.memory_space<vmem_shared>>) dst(%dma_wait3A_81 : memref<16xf32, #tpu.memory_space<vmem>>)
        tpu.yield
      }) : () -> ()
      %mul3A_66 = arith.constant 10240 : i32
      %mul3A_67 = arith.muli %arg0, %mul3A_66 : i32
      %add3A_68 = arith.constant 9984 : i32
      %add3A_69 = arith.addi %mul3A_67, %add3A_68 : i32
      "tpu.region"() ({
        %run_scoped3A = tpu.sem_alloc : memref<!tpu.dma_semaphore, #tpu.memory_space<semaphore_mem>>
        %dma_start3A = arith.constant 0 : i32
        %dma_start3A_70 = tpu.memref_slice %arg12[%dma_start3A] : memref<624xf32, #tpu.memory_space<vmem>> -> memref<16xf32, #tpu.memory_space<vmem>>
        %dma_start3A_71 = tpu.memref_slice %arg5[%add3A_69] : memref<20480xf32, #tpu.memory_space<hbm>> -> memref<16xf32, #tpu.memory_space<hbm>>
        %dma_start3A_72 = tpu.memref_slice %arg5[%add3A_69] : memref<20480xf32, #tpu.memory_space<hbm>> -> memref<16xf32, #tpu.memory_space<hbm>>
        %dma_start3A_73 = arith.constant 0 : i32
        %dma_start3A_74 = tpu.memref_slice %arg12[%dma_start3A_73] : memref<624xf32, #tpu.memory_space<vmem>> -> memref<16xf32, #tpu.memory_space<vmem>>
        tpu.enqueue_dma source(%dma_start3A_74 : memref<16xf32, #tpu.memory_space<vmem>>) target(%dma_start3A_72 : memref<16xf32, #tpu.memory_space<hbm>>) target_semaphore(%run_scoped3A : memref<!tpu.dma_semaphore, #tpu.memory_space<semaphore_mem>>)
        %dma_wait3A = arith.constant 0 : i32
        %dma_wait3A_75 = tpu.memref_slice %arg12[%dma_wait3A] : memref<624xf32, #tpu.memory_space<vmem>> -> memref<16xf32, #tpu.memory_space<vmem>>
        %dma_wait3A_76 = tpu.memref_slice %arg5[%add3A_69] : memref<20480xf32, #tpu.memory_space<hbm>> -> memref<16xf32, #tpu.memory_space<hbm>>
        %dma_wait3A_77 = tpu.memref_slice %arg5[%add3A_69] : memref<20480xf32, #tpu.memory_space<hbm>> -> memref<16xf32, #tpu.memory_space<hbm>>
        %dma_wait3A_78 = arith.constant 0 : i32
        %dma_wait3A_79 = tpu.memref_slice %arg12[%dma_wait3A_78] : memref<624xf32, #tpu.memory_space<vmem>> -> memref<16xf32, #tpu.memory_space<vmem>>
        tpu.wait_dma2 semaphore(%run_scoped3A : memref<!tpu.dma_semaphore, #tpu.memory_space<semaphore_mem>>) src(%dma_wait3A_79 : memref<16xf32, #tpu.memory_space<vmem>>) dst(%dma_wait3A_77 : memref<16xf32, #tpu.memory_space<hbm>>)
        tpu.yield
      }) : () -> ()
    } else {
    }
    return
  }
}

module attributes {stable_mosaic.version = 14 : i64} {
  func.func @_combine_kernel(%arg0: i32, %arg1: memref<2x1024x128xf32, #tpu.memory_space<vmem>>, %arg2: memref<20480xf32, #tpu.memory_space<vmem>>, %arg3: memref<1024x128xf32, #tpu.memory_space<vmem>>) attributes {dimension_semantics = [#tpu.dimension_semantics<arbitrary>], iteration_bounds = array<i64: 10>, scalar_prefetch = 0 : i64, scratch_operands = 0 : i64, tpu.core_type = #tpu.core_type<tc>, window_params = [{transform_indices = @transform_0, window_bounds = array<i64: 2, 1024, 128>}, {pipeline_mode = #tpu.pipeline_mode<synchronous>, transform_indices = @transform_1, window_bounds = array<i64: 20480>}, {transform_indices = @transform_2, window_bounds = array<i64: 1024, 128>}]} {
    %get3A = arith.constant 0 : index
    %get3A_0 = arith.constant 0 : index
    %get3A_1 = arith.constant 0 : index
    %get3A_2 = vector.load %arg1[%get3A, %get3A_0, %get3A_1] : memref<2x1024x128xf32, #tpu.memory_space<vmem>>, vector<1x1024x128xf32>
    %get3A_3 = vector.shape_cast %get3A_2 : vector<1x1024x128xf32> to vector<1024x128xf32>
    %get3A_4 = arith.constant 1 : index
    %get3A_5 = arith.constant 0 : index
    %get3A_6 = arith.constant 0 : index
    %get3A_7 = vector.load %arg1[%get3A_4, %get3A_5, %get3A_6] : memref<2x1024x128xf32, #tpu.memory_space<vmem>>, vector<1x1024x128xf32>
    %get3A_8 = vector.shape_cast %get3A_7 : vector<1x1024x128xf32> to vector<1024x128xf32>
    %add3A = arith.addf %get3A_3, %get3A_8 : vector<1024x128xf32>
    %mul3A = arith.constant 1024 : i32
    %mul3A_9 = arith.muli %arg0, %mul3A : i32
    %get3A_10 = arith.index_cast %mul3A_9 : i32 to index
    %get3A_11 = vector.load %arg2[%get3A_10] : memref<20480xf32, #tpu.memory_space<vmem>>, vector<1024xf32>
    %mul3A_12 = arith.constant 1024 : i32
    %mul3A_13 = arith.muli %arg0, %mul3A_12 : i32
    %add3A_14 = arith.constant 10240 : i32
    %add3A_15 = arith.addi %add3A_14, %mul3A_13 : i32
    %get3A_16 = arith.index_cast %add3A_15 : i32 to index
    %get3A_17 = vector.load %arg2[%get3A_16] : memref<20480xf32, #tpu.memory_space<vmem>>, vector<1024xf32>
    %add3A_18 = arith.addf %get3A_11, %get3A_17 : vector<1024xf32>
    %max3A = arith.constant 9.99999997E-7 : f32
    %max3A_19 = vector.broadcast %max3A : f32 to vector<1024xf32>
    %max3A_20 = arith.maximumf %add3A_18, %max3A_19 : vector<1024xf32>
    %broadcast_in_dim3A = vector.shape_cast %max3A_20 : vector<1024xf32> to vector<1024x1xf32>
    %div3A = vector.broadcast %broadcast_in_dim3A : vector<1024x1xf32> to vector<1024x128xf32>
    %div3A_21 = arith.divf %add3A, %div3A : vector<1024x128xf32>
    %swap3A = arith.constant 0 : index
    %swap3A_22 = arith.constant 0 : index
    %swap3A_23 = vector.load %arg3[%swap3A, %swap3A_22] : memref<1024x128xf32, #tpu.memory_space<vmem>>, vector<1024x128xf32>
    tpu.vector_store %arg3[%swap3A, %swap3A_22], %div3A_21 {strides = array<i32>} : memref<1024x128xf32, #tpu.memory_space<vmem>>, vector<1024x128xf32>,
    return
  }
  func.func @transform_0(%arg0: i32) -> (i32, i32, i32) {
    %c0_i32 = arith.constant 0 : i32
    %c0_i32_0 = arith.constant 0 : i32
    %c0_i32_1 = arith.constant 0 : i32
    return %c0_i32, %arg0, %c0_i32_0 : i32, i32, i32
  }
  func.func @transform_1(%arg0: i32) -> i32 {
    %c0_i32 = arith.constant 0 : i32
    %c0_i32_0 = arith.constant 0 : i32
    return %c0_i32 : i32
  }
  func.func @transform_2(%arg0: i32) -> (i32, i32) {
    %c0_i32 = arith.constant 0 : i32
    %c0_i32_0 = arith.constant 0 : i32
    return %arg0, %c0_i32 : i32, i32
  }
}

</mosaic_0001>

<sc_bundles>
// kernel: kernel.4.cloned.1.call-start
scs
__scs_entry_jumppad:
0x0: {  	(pc) =	sbr.rel $0x88, $3  }
0x1: {  	(tag) =	ssettag $0x0;
	lr =	simm.s32 $0x1  }
0x2: {  	[smem:$0x3F9F] =	sst lr;
	_ =	strace $0xD0000000  }
0x3: {  	_ = 	snop  }
0x4: {  	_ = 	snop  }
0x5: {  	_ = 	snop  }
0x6: {  	_ = 	snop  }
0x7: {  	_ = 	snop  }
__scs_overlays_trampoline_lowered:
0x8: {  	[smem:$0x3FAE] =	sst s0  }
0x9: {  	[smem:$0x3FAF] =	sst s1  }
0xa: {  	[smem:$0x3FB0] =	sst s2  }
0xb: {  	[smem:$0x3FB1] =	sst s3  }
0xc: {  	[smem:$0x3FB2] =	sst s4  }
0xd: {  	[smem:$0x3FB3] =	sst s5  }
0xe: {  	[smem:$0x3FB4] =	sst s6  }
0xf: {  	[smem:$0x3FB5] =	sst s7  }
0x10: {  	[smem:$0x3FB6] =	sst s8  }
0x11: {  	[smem:$0x3FB7] =	sst s9;
	s0 =	simm.s32 @!p0 $0x0  }
0x12: {  	s1 =	sld [smem:$0x3F9D];
	s0 =	simm.s32 @p0 $0x1  }
0x13: {  	[smem:$0x3FB8] =	sst s0;
	s0 =	simm.s32 @!p1 $0x0  }
0x14: {  	s2 =	sld [smem:$0x3F9C];
	s0 =	simm.s32 @p1 $0x1  }
0x15: {  	[smem:$0x3FB9] =	sst s0;
	s0 =	simm.s32 @!p2 $0x0  }
0x16: {  	s3 =	sld [smem:$0x3FDB];
	s0 =	simm.s32 @p2 $0x1  }
0x17: {  	s4 =	simm.s32 $0x1BF5;
	[smem:$0x3FBB] =	sst s0  }
0x18: {  	s0 =	sld [smem:$0x3F9E];
	_ =	swait.ge [sflag:s4], $0x0  }
0x19: {  	s7 =	sld [smem:$0x3F9F]  }
0x1a: {  	s8 =	sadd.s32 $0xFFFFE003, lr  }
0x1b: {  	s9 =	sadd.s32 $0xFFFFFEF7, lr;
	s5 =	simm.s32 $0xFFFFFFFF;
	p2 =	slt.u32 s8, $0xFFFFF086  }
0x1c: {  	p1 =	slt.u32 s9, $0xF7A;
	s5 =	simm.s32 @!p2 $0x0  }
0x1d: {  	s5 =	simm.s32 @p1 $0x1;
	p0 =	seq.s32 s7, s2  }
0x1e: {  	s7 =	smul.u32 @!p0 $0xF7A, s2;
	p2 =	seq.s32 @!p0 s5, $0x0  }
0x1f: {  	s9 =	smul.u32 $0xF7A, s1;
	s8 =	simm.s32 @!p0 $0x1BF5;
	p2 =	por !p2, p0  }
0x20: {  	[sflag:s8] =	ssyncset.s32 @!p0 $0xFFFFF086;
	s6 =	sadd.s32 @!p0 s3, s7;
	s7 =	simm.s32 @!p0 $0x108  }
0x21: {  	s3 =	sadd.s32 s3, s9;
	s6 =	sadd.s32 @!p0 $0x88, s6;
	s7 =	simm.s32 @p2 $0x1082  }
0x22: {  	[simem:s7], [sflag:s8] =	dma.local @!p0 [hbm:s6], $0xF7A  }
0x23: {  	s9 =	sor.u32 $0xD0000000, s2;
	s6 =	simm.s32 $0x108;
	_ =	swait.ge @!p0 [sflag:s8], $0x0  }
0x24: {  	s3 =	sadd.s32 $0x88, s3;
	s6 =	simm.s32 @!p1 $0x1082;
	[sflag:s4] =	ssyncset.s32 $0xFFFFF086  }
0x25: {  	[simem:s6], [sflag:s4] =	dma.local [hbm:s3], $0xF7A  }
0x26: {  	[smem:$0x3F9F] =	sst s1;
	(tag) =	ssettag s2;
	_ =	strace s9  }
0x27: {  	s1 =	sld [smem:$0x3FAF]  }
0x28: {  	s2 =	sld [smem:$0x3FB0]  }
0x29: {  	s4 =	sld [smem:$0x3FB2]  }
0x2a: {  	p0 =	seq.s32 s5, $0x0;
	s5 =	sld [smem:$0x3FB3]  }
0x2b: {  	s6 =	sld [smem:$0x3FB4]  }
0x2c: {  	s7 =	sld [smem:$0x3FB5]  }
0x2d: {  	s3 =	simm.s32 $0x108;
	s8 =	sld [smem:$0x3FB6]  }
0x2e: {  	s3 =	simm.s32 @!p0 $0x1082;
	s9 =	sld [smem:$0x3FB7]  }
0x2f: {  	lr =	sadd.s32 s0, s3;
	s0 =	sld [smem:$0x3FAE]  }
0x30: {  	s3 =	sld [smem:$0x3FB1]  }
0x31: {  	[smem:$0x3FBA] =	sst s10  }
0x32: {  	s10 =	sld [smem:$0x3FB8];
	_ =	sdelay $0x3  }
0x33: {  	p0 =	seq.s32 s10, $0x1;
	s10 =	sld [smem:$0x3FBA];
	_ =	sdelay $0x3  }
0x34: {  	[smem:$0x3FBA] =	sst s10  }
0x35: {  	s10 =	sld [smem:$0x3FB9];
	_ =	sdelay $0x3  }
0x36: {  	p1 =	seq.s32 s10, $0x1;
	s10 =	sld [smem:$0x3FBA];
	_ =	sdelay $0x3  }
0x37: {  	[smem:$0x3FBA] =	sst s10  }
0x38: {  	s10 =	sld [smem:$0x3FBB]  }
0x39: {  	_ = 	snop;
	(pc) =	sbr.ind lr, $3  }
0x3a: {  	_ = 	snop  }
0x3b: {  	_ = 	snop  }
0x3c: {  	p2 =	seq.s32 s10, $0x1;
	s10 =	sld [smem:$0x3FBA]  }
0x3d: {  	_ =	shalt  }
0x3e: {  	_ =	shalt  }
0x3f: {  	_ =	shalt  }
0x40: {  	_ =	shalt  }
0x41: {  	_ =	shalt  }
0x42: {  	_ =	shalt  }
0x43: {  	_ =	shalt  }
0x44: {  	_ =	shalt  }
0x45: {  	_ =	shalt  }
0x46: {  	_ =	shalt  }
0x47: {  	_ =	shalt  }
0x48: {  	_ =	shalt  }
0x49: {  	_ =	shalt  }
0x4a: {  	_ =	shalt  }
0x4b: {  	_ =	shalt  }
0x4c: {  	_ =	shalt  }
0x4d: {  	_ =	shalt  }
0x4e: {  	_ =	shalt  }
0x4f: {  	_ =	shalt  }
0x50: {  	_ =	shalt  }
0x51: {  	_ =	shalt  }
0x52: {  	_ =	shalt  }
0x53: {  	_ =	shalt  }
0x54: {  	_ =	shalt  }
0x55: {  	_ =	shalt  }
0x56: {  	_ =	shalt  }
0x57: {  	_ =	shalt  }
0x58: {  	_ =	shalt  }
0x59: {  	_ =	shalt  }
0x5a: {  	_ =	shalt  }
0x5b: {  	_ =	shalt  }
0x5c: {  	_ =	shalt  }
0x5d: {  	_ =	shalt  }
0x5e: {  	_ =	shalt  }
0x5f: {  	_ =	shalt  }
0x60: {  	_ =	shalt  }
0x61: {  	_ =	shalt  }
0x62: {  	_ =	shalt  }
0x63: {  	_ =	shalt  }
0x64: {  	_ =	shalt  }
0x65: {  	_ =	shalt  }
0x66: {  	_ =	shalt  }
0x67: {  	_ =	shalt  }
0x68: {  	_ =	shalt  }
0x69: {  	_ =	shalt  }
0x6a: {  	_ =	shalt  }
0x6b: {  	_ =	shalt  }
0x6c: {  	_ =	shalt  }
0x6d: {  	_ =	shalt  }
0x6e: {  	_ =	shalt  }
0x6f: {  	_ =	shalt  }
0x70: {  	_ =	shalt  }
0x71: {  	_ =	shalt  }
0x72: {  	_ =	shalt  }
0x73: {  	_ =	shalt  }
0x74: {  	_ =	shalt  }
0x75: {  	_ =	shalt  }
0x76: {  	_ =	shalt  }
0x77: {  	_ =	shalt  }
0x78: {  	_ =	shalt  }
0x79: {  	_ =	shalt  }
0x7a: {  	_ =	shalt  }
0x7b: {  	_ =	shalt  }
0x7c: {  	_ =	shalt  }
0x7d: {  	_ =	shalt  }
0x7e: {  	_ =	shalt  }
0x7f: {  	_ =	shalt  }
0x80: {  	_ =	shalt  }
0x81: {  	_ =	shalt  }
0x82: {  	_ =	shalt  }
0x83: {  	_ =	shalt  }
0x84: {  	_ =	shalt  }
0x85: {  	_ =	shalt  }
0x86: {  	_ =	shalt  }
0x87: {  	_ =	shalt  }
.Lfunc_end0:
.L_simem_size_0:
called_computation_lowered:
.L_overlay_start_0:
0x88: {  	s2 =	sld [smem:$0x3FD9]  }
0x89: {  	s3 =	sld [smem:$0x3FFE];
	_ =	sdelay $0x1  }
0x8a: {  	s1 =	srdreg.scid  }
0x8b: {  	s0 =	sand.u32 $0x1, s1  }
0x8c: {  	s17 =	sshll.u32 s0, $0xA;
	s2 =	sadd.s32 s3, s2  }
0x8d: {  	s2 =	sadd.s32 s2, s17  }
0x8e: {  	[smem:$0x3FC6] =	sst s2  }
0x8f: {  	_ = 	snop  }
0x90: {  	s2 =	sld [smem:$0x3FC9]  }
0x91: {  	s18 =	sld [smem:$0x3FC8]  }
0x92: {  	s4 =	sld [smem:$0x3FD0];
	(tm) =	ssettm $0x1  }
0x93: {  	s5 =	sld [smem:$0x3FFB];
	_ =	sdelay $0x3  }
0x94: {  	_ =	strace s5  }
0x95: {  	s5 =	sld [smem:$0x3FFC];
	_ =	sdelay $0x3  }
0x96: {  	_ =	strace s5  }
0x97: {  	s5 =	sld [smem:$0x3FFD];
	_ =	sdelay $0x3  }
0x98: {  	_ =	strace s5  }
0x99: {  	_ =	strace $0x8FFFFFFF  }
0x9a: {  	s19 =	sld [smem:$0x3FDB];
	_ =	sdelay $0x1  }
0x9b: {  	s6 =	simm.s32 $_scs_section_size  }
0x9c: {  	s7 =	simm.s32 $_size__tile_overlayer_lowered;
	s8 =	simm.s32 $_tile_overlayer_lowered  }
0x9d: {  	s22 =	simm.s32 $0x1BFF;
	s21 =	sshll.u32 s8, $0x1;
	s5 =	sadd.s32 s6, s19  }
0x9e: {  	s9 =	simm.s32 $0x0;
	s20 =	sshll.u32 s7, $0x1;
	s7 =	sadd.s32 s21, s5  }
0x9f: {  	[timem:s9], [sflag:s22] =	dma.local [hbm:s7], s20  }
0xa0: {  	_ =	swait.ge [sflag:s22], s20  }
0xa1: {  	s6 =	ssub.s32 $0x0, s20;
	[sflag:s22] =	ssyncset.done $0x0  }
0xa2: {  	[sflag:s22] =	ssyncadd.s32 s6;
	_ =	sdelay $0x1  }
0xa3: {  	s23 =	simm.s32 $0x1B8B  }
0xa4: {  	_ =	swait.ge [sflag:s23], $0x1  }
0xa5: {  	[sflag:s23] =	ssyncset.done $0x0  }
0xa6: {  	s25 =	simm.s32 $0x1B8E;
	s24 =	sld [smem:$0x3FFE];
	[sflag:s23] =	ssyncadd.s32 $0xFFFFFFFF  }
0xa7: {  	s26 =	simm.s32 $execute0_lowered;
	[smem:$0x3FD2] =	sst s25  }
0xa8: {  	s7 =	sshll.u32 s26, $0x1;
	_ =	strace $0x80000046;
	[dreg:$0x1] =	wrdreg $0xFFFFFFFF  }
0xa9: {  	s28 =	simm.s32 $_size_execute0_lowered;
	s5 =	sadd.s32 s5, s7;
	[dreg:$0x0] =	wrdreg $0x0  }
0xaa: {  	s7 =	sshll.u32 s28, $0x1;
	[dreg:$0x2] =	wrdreg s5  }
0xab: {  	[dreg:$0x3] =	wrdreg s7  }
0xac: {  	[dreg:$0x4] =	wrdreg $0xC0  }
0xad: {  	_ =	task [dreg:s9], $0x5FFFF  }
0xae: {  	[dreg:$0x1] =	wrdreg $0xFFFFFFFF  }
0xaf: {  	[dreg:$0x0] =	wrdreg $0x60  }
0xb0: {  	[dreg:$0x2] =	wrdreg s2  }
0xb1: {  	[dreg:$0x3] =	wrdreg s18  }
0xb2: {  	[dreg:$0x4] =	wrdreg s24  }
0xb3: {  	[dreg:$0x5] =	wrdreg s4  }
0xb4: {  	[dreg:$0x6] =	wrdreg $0x0  }
0xb5: {  	[dreg:$0x7] =	wrdreg $0x138800  }
0xb6: {  	[dreg:$0x8] =	wrdreg $0x9  }
0xb7: {  	_ =	task.clear_ibuf [dreg:s9], $0x9FFFF;
	_ =	strace $0x90000046  }
0xb8: {  	s29 =	simm.s32 $0x9;
	_ =	strace $0x80000048  }
0xb9: {  	_ =	swait.ge [sflag:s29], $0x1  }
0xba: {  	[sflag:s29] =	ssyncadd.s32 $0xFFFFFFFF  }
0xbb: {  	_ =	strace $0x90000048  }
0xbc: {  	_ =	sfence  }
0xbd: {  	s30 =	sld [smem:$0x0];
	_ =	sdelay $0x2  }
0xbe: {  	s31 =	sshll.u32 s1, $0xD;
	s1 =	sshrl.u32 s1, $0x2  }
0xbf: {  	s3 =	sand.u32 $0x4000, s31;
	s1 =	sadd.s32 s1, s30  }
0xc0: {  	s0 =	sor.u32 s3, s0;
	s1 =	sshll.u32 s1, $0x11  }
0xc1: {  	s0 =	sor.u32 s1, s0  }
0xc2: {  	s0 =	sadd.s32 $0x8F2B, s0  }
0xc3: {  	[sflag:s0] =	ssyncadd.remote.s32 $0x1  }
0xc4: {  	_ =	sfence.sel $0xFFFF  }
0xc5: {  	[dreg:$0x0] =	wrdreg $0xFFFFFFFF;
	(pc) =	sbr.abs _section_cstart, $3  }
0xc6: {  	[dreg:$0x1] =	wrdreg $0xFFFFFFFF  }
0xc7: {  	_ =	task.clear_ibuf [dreg:s9], $0x2FFFF;
	_ =	strace $0x9FFFFFFF  }
0xc8: {  	(tm) =	ssettm $0x7FFFFFFF  }
0xc9: {  	_ =	shalt  }
tec
execute0_lowered:
.L_overlay_start_1:
0x0: {  	(tag) =	ssettag $0x1  }
0x1: {  	s0 =	rddreg [dreg:$0x0]  }
0x2: {  	s3 =	rddreg [dreg:$0x1]  }
0x3: {  	s5 =	rddreg [dreg:$0x2]  }
0x4: {  	s6 =	rddreg [dreg:$0x3]  }
0x5: {  	s1 =	rddreg [dreg:$0x4]  }
0x6: {  	s2 =	rddreg [dreg:$0x5];
	s4 =	simm.s32 $0x0;
	s26 =	stileid.u32  }
0x7: {  	s7 =	srdreg.scid;
	s28 =	simm.s32 $0x13AF8;
	s9 =	smul.u32 $0x4E000, s26  }
0x8: {  	s30 =	simm.s32 $0x15C78;
	s31 =	simm.s32 $0x15B78;
	s11 =	smul.u32 $0x270, s26  }
0x9: {  	[smem:$0x7FF] =	sst s4;
	s7 =	sand.u32 $0x1, s7;
	s16 =	smul.u32 $0x13800, s26  }
0xa: {  	s8 =	sadd.s32 $0xC00, s5;
	s22 =	smul.u32 $0x27100, s26;
	p0 =	sne.s32 s26, $0xF  }
0xb: {  	s29 =	simm.s32 $0x1;
	_ =	strace $0x80000047;
	s25 =	smul.u32 $0x138800, s7  }
0xc: {  	s24 =	sshll.u32 s7, $0x4;
	s10 =	ssub.s32 $0x2, s7;
	s21 =	smul.u32 $0x2800, s7  }
0xd: {  	s5 =	sor.u32 s26, s24;
	s12 =	sshrl.u32 s10, $0x1;
	s9 =	sshrl.u32 s9, $0x2  }
0xe: {  	s13 =	smul.u32 $0x2710, s5;
	s10 =	ssub.s32 s10, s12;
	s5 =	sadd.s32 s9, s1  }
0xf: {  	s12 =	sadd.s32 s16, s25;
	s9 =	sshrl.u32 s25, $0x3;
	s14 =	sadd.s32 $0x2000, s5  }
0x10: {  	s16 =	sadd.s32 s11, s21;
	s15 =	sadd.s32 $0x4000, s5;
	[dreg:$0x7] =	wrdreg s14  }
0x11: {  	s17 =	sadd.s32 $0x8000, s5;
	s18 =	sadd.s32 $0xA000, s5;
	[dreg:$0x8] =	wrdreg s15  }
0x12: {  	s19 =	sadd.s32 $0xC000, s5;
	s12 =	sshrl.u32 s12, $0x3;
	[dreg:$0xa] =	wrdreg s17  }
0x13: {  	s16 =	sshrl.u32 s16, $0x3;
	s14 =	sadd.s32 $0x6000, s5;
	[dreg:$0xb] =	wrdreg s18  }
0x14: {  	[dreg:$0xc] =	wrdreg s19;
	s19 =	sadd.s32 $0x2700, s13;
	s12 =	sadd.s32 s8, s12  }
0x15: {  	s15 =	smul.u32 $0x271000, s7;
	s8 =	sadd.s32 s8, s9;
	s17 =	sshrl.u32 s21, $0x3  }
0x16: {  	s7 =	smul.u32 $0x27100, s7;
	s23 =	sadd.s32 s6, s16;
	[dreg:$0x9] =	wrdreg s14  }
0x17: {  	s18 =	smul.u32 $0x2710, s26;
	s26 =	sadd.s32 $0x2700, s2;
	[dreg:$0xd] =	wrdreg s12  }
0x18: {  	s20 =	sshll.u32 s19, $0x4;
	[dreg:$0xe] =	wrdreg s23;
	s6 =	sadd.s32 s6, s17  }
0x19: {  	s17 =	sadd.s32 $0x10000, s5;
	s25 =	sshrl.u32 s19, $0x3;
	s19 =	sadd.s32 s11, s2  }
0x1a: {  	s23 =	sadd.s32 $0x27000, s8;
	s8 =	simm.s32 $0x0;
	s14 =	sadd.s32 s0, s20  }
0x1b: {  	s0 =	sadd.s32 s15, s0;
	s15 =	sadd.s32 $0xE000, s5;
	s24 =	sadd.s32 s18, s7  }
0x1c: {  	s18 =	sadd.s32 $0x12000, s5;
	s20 =	sadd.s32 s3, s25;
	s25 =	smax.u32 s10, $0x1  }
0x1d: {  	s7 =	simm.s32 $0x10;
	s16 =	sadd.s32 s22, s0;
	s0 =	sshrl.u32 s24, $0x3  }
0x1e: {  	s22 =	sadd.s32 $0x138000, s1;
	s24 =	sadd.s32 $0x4E0, s6;
	s6 =	simm.s32 $0x15AF8  }
0x1f: {  	v0 =	vimm.f32 $1.000000000e+00;
	v1 =	vimm.f32 $0.0e+00;
	s21 =	sadd.s32 s0, s3;
	s0 =	simm.s32 $0x40;
	s3 =	simm.s32 $0x15BF8  }
.LBB2_1:
0x20: {  	[tilespmem:$0x15BF8] =	vst v0  }
0x21: {  	[tilespmem:$0x15C08] =	vst v0  }
0x22: {  	[tilespmem:$0x15C18] =	vst v0  }
0x23: {  	[tilespmem:$0x15C28] =	vst v0  }
0x24: {  	[tilespmem:$0x15C78] =	vst v1  }
0x25: {  	[tilespmem:$0x15C88] =	vst v1  }
0x26: {  	[tilespmem:$0x15C98] =	vst v1  }
0x27: {  	[tilespmem:$0x15CA8] =	vst v1  }
0x28: {  	[tilespmem:$0x15CB8] =	vst v1  }
0x29: {  	[tilespmem:$0x15CC8] =	vst v1  }
0x2a: {  	[tilespmem:$0x15CD8] =	vst v1  }
0x2b: {  	[tilespmem:$0x15CE8] =	vst v1  }
0x2c: {  	[tilespmem:$0x15CF8] =	vst v1  }
0x2d: {  	[tilespmem:$0x15D08] =	vst v1  }
0x2e: {  	[tilespmem:$0x15D18] =	vst v1  }
0x2f: {  	[tilespmem:$0x15D28] =	vst v1  }
0x30: {  	[tilespmem:$0x15D38] =	vst v1  }
0x31: {  	[tilespmem:$0x15D48] =	vst v1  }
0x32: {  	[tilespmem:$0x15D58] =	vst v1  }
0x33: {  	[tilespmem:$0x15D68] =	vst v1  }
0x34: {  	[tilespmem:$0x15D78] =	vst v1  }
0x35: {  	[tilespmem:$0x15D88] =	vst v1  }
0x36: {  	[tilespmem:$0x15D98] =	vst v1  }
0x37: {  	[tilespmem:$0x15DA8] =	vst v1  }
0x38: {  	[tilespmem:$0x15DB8] =	vst v1  }
0x39: {  	[tilespmem:$0x15DC8] =	vst v1  }
0x3a: {  	[tilespmem:$0x15DD8] =	vst v1  }
0x3b: {  	[tilespmem:$0x15DE8] =	vst v1  }
0x3c: {  	[tilespmem:$0x15DF8] =	vst v1  }
0x3d: {  	[tilespmem:$0x15E08] =	vst v1  }
0x3e: {  	[tilespmem:$0x15E18] =	vst v1  }
0x3f: {  	[tilespmem:$0x15E28] =	vst v1  }
0x40: {  	[tilespmem:$0x15E38] =	vst v1  }
0x41: {  	[tilespmem:$0x15E48] =	vst v1  }
0x42: {  	[tilespmem:$0x15E58] =	vst v1  }
0x43: {  	[tilespmem:$0x15E68] =	vst v1  }
0x44: {  	[tilespmem:$0x15E78] =	vst v1  }
0x45: {  	[tilespmem:$0x15E88] =	vst v1  }
0x46: {  	[tilespmem:$0x15E98] =	vst v1  }
0x47: {  	[tilespmem:$0x15EA8] =	vst v1  }
0x48: {  	[tilespmem:$0x15EB8] =	vst v1  }
0x49: {  	[tilespmem:$0x15EC8] =	vst v1  }
0x4a: {  	[tilespmem:$0x15ED8] =	vst v1;
	s9 =	simm.s32 $0x0;
	s10 =	simm.s32 $0x200  }
.LBB2_2:
0x4b: {  	p1 =	sne.s32 s10, $0x7E00;
	[tilespmem:s9+$0x13B68] =	vst v1  }
0x4c: {  	[tilespmem:s9+$0x13AF8] =	vst v1  }
0x4d: {  	[tilespmem:s9+$0x13B08] =	vst v1  }
.Ltmp0:
0x4e: {  	[tilespmem:s9+$0x13B18] =	vst v1;
	(pc) =	sbr.rel @p1 .LBB2_2-.Ltmp0, $4  }
0x4f: {  	[tilespmem:s9+$0x13B28] =	vst v1  }
0x50: {  	[tilespmem:s9+$0x13B38] =	vst v1  }
0x51: {  	[tilespmem:s9+$0x13B48] =	vst v1  }
0x52: {  	[tilespmem:s9+$0x13B58] =	vst v1;
	s9 =	sshra.s32 s10, $0x2;
	s10 =	sadd.s32 $0x200, s10  }
0x53: {  	[tilespmem:s9+$0x13B68] =	vst v1  }
0x54: {  	[tilespmem:s9+$0x13AF8] =	vst v1  }
0x55: {  	[tilespmem:s9+$0x13B08] =	vst v1  }
0x56: {  	[tilespmem:s9+$0x13B18] =	vst v1  }
0x57: {  	[tilespmem:s9+$0x13B28] =	vst v1  }
0x58: {  	[tilespmem:s9+$0x13B38] =	vst v1  }
0x59: {  	[tilespmem:s9+$0x13B48] =	vst v1  }
0x5a: {  	[tilespmem:s9+$0x13B58] =	vst v1  }
0x5b: {  	[spmem:s5] =	stream.linear.scatter [tilespmem:s28], [sflag:$0x1], $0x2000, $0x38;
	[tilespmem:$0x15EF8] =	vst v63  }
0x5c: {  	_ =	swait.ge [sflag:s29], $0x2000  }
0x5d: {  	[sflag:s29] =	ssyncset.done $0x0  }
0x5e: {  	s11 =	rddreg [dreg:$0x7];
	[sflag:s29] =	ssyncadd.s32 $0xFFFFE000  }
0x5f: {  	[spmem:s11] =	stream.linear.scatter [tilespmem:s28], [sflag:$0x1], $0x2000, $0x38;
	[tilespmem:$0x15EF8] =	vst v63  }
0x60: {  	_ =	swait.ge [sflag:s29], $0x2000  }
0x61: {  	[sflag:s29] =	ssyncset.done $0x0  }
0x62: {  	s12 =	rddreg [dreg:$0x8];
	[sflag:s29] =	ssyncadd.s32 $0xFFFFE000  }
0x63: {  	[spmem:s12] =	stream.linear.scatter [tilespmem:s28], [sflag:$0x1], $0x2000, $0x38;
	[tilespmem:$0x15EF8] =	vst v63  }
0x64: {  	_ =	swait.ge [sflag:s29], $0x2000  }
0x65: {  	[sflag:s29] =	ssyncset.done $0x0  }
0x66: {  	s13 =	rddreg [dreg:$0x9];
	[sflag:s29] =	ssyncadd.s32 $0xFFFFE000  }
0x67: {  	[spmem:s13] =	stream.linear.scatter [tilespmem:s28], [sflag:$0x1], $0x2000, $0x38;
	[tilespmem:$0x15EF8] =	vst v63  }
0x68: {  	_ =	swait.ge [sflag:s29], $0x2000  }
0x69: {  	[sflag:s29] =	ssyncset.done $0x0  }
0x6a: {  	s10 =	rddreg [dreg:$0xa];
	[sflag:s29] =	ssyncadd.s32 $0xFFFFE000  }
0x6b: {  	[spmem:s10] =	stream.linear.scatter [tilespmem:s28], [sflag:$0x1], $0x2000, $0x38;
	[tilespmem:$0x15EF8] =	vst v63  }
0x6c: {  	_ =	swait.ge [sflag:s29], $0x2000  }
0x6d: {  	[sflag:s29] =	ssyncset.done $0x0  }
0x6e: {  	s11 =	rddreg [dreg:$0xb];
	[sflag:s29] =	ssyncadd.s32 $0xFFFFE000  }
0x6f: {  	[spmem:s11] =	stream.linear.scatter [tilespmem:s28], [sflag:$0x1], $0x2000, $0x38;
	[tilespmem:$0x15EF8] =	vst v63  }
0x70: {  	_ =	swait.ge [sflag:s29], $0x2000  }
0x71: {  	[sflag:s29] =	ssyncset.done $0x0  }
0x72: {  	s12 =	rddreg [dreg:$0xc];
	[sflag:s29] =	ssyncadd.s32 $0xFFFFE000  }
0x73: {  	[spmem:s12] =	stream.linear.scatter [tilespmem:s28], [sflag:$0x1], $0x2000, $0x38;
	[tilespmem:$0x15EF8] =	vst v63  }
0x74: {  	_ =	swait.ge [sflag:s29], $0x2000  }
0x75: {  	[sflag:s29] =	ssyncset.done $0x0  }
0x76: {  	[sflag:s29] =	ssyncadd.s32 $0xFFFFE000  }
0x77: {  	[spmem:s15] =	stream.linear.scatter [tilespmem:s28], [sflag:$0x1], $0x2000, $0x38;
	[tilespmem:$0x15EF8] =	vst v63  }
0x78: {  	_ =	swait.ge [sflag:s29], $0x2000  }
0x79: {  	[sflag:s29] =	ssyncset.done $0x0  }
0x7a: {  	[sflag:s29] =	ssyncadd.s32 $0xFFFFE000  }
0x7b: {  	[spmem:s17] =	stream.linear.scatter [tilespmem:s28], [sflag:$0x1], $0x2000, $0x38;
	[tilespmem:$0x15EF8] =	vst v63  }
0x7c: {  	_ =	swait.ge [sflag:s29], $0x2000  }
0x7d: {  	[sflag:s29] =	ssyncset.done $0x0  }
0x7e: {  	[sflag:s29] =	ssyncadd.s32 $0xFFFFE000  }
0x7f: {  	[spmem:s18] =	stream.linear.scatter [tilespmem:s28], [sflag:$0x1], $0x1800, $0x38;
	[tilespmem:$0x15EF8] =	vst v63  }
0x80: {  	_ =	swait.ge [sflag:s29], $0x1800  }
0x81: {  	[sflag:s29] =	ssyncset.done $0x0  }
0x82: {  	[sflag:s29] =	ssyncadd.s32 $0xFFFFE800  }
0x83: {  	[spmem:s19] =	stream.linear.scatter [tilespmem:s30], [sflag:$0x1], $0x270, $0x38;
	[tilespmem:$0x15EF8] =	vst v63  }
0x84: {  	_ =	swait.ge [sflag:s29], $0x270  }
0x85: {  	[sflag:s29] =	ssyncset.done $0x0  }
0x86: {  	s9 =	simm.s32 @!p0 $0x13AF8;
	[sflag:s29] =	ssyncadd.s32 $0xFFFFFD90  }
0x87: {  	[spmem:s22] =	stream.linear.scatter @!p0 [tilespmem:s9], [sflag:$0x1], $0x800, $0x38;
	[tilespmem:$0x15EF8] =	vst v63  }
0x88: {  	s9 =	simm.s32 @!p0 $0x1  }
0x89: {  	_ =	swait.ge @!p0 [sflag:s9], $0x800  }
0x8a: {  	[sflag:s9] =	ssyncset.done @!p0 $0x0  }
0x8b: {  	s10 =	simm.s32 @!p0 $0x15C78;
	[sflag:s9] =	ssyncadd.s32 @!p0 $0xFFFFF800  }
0x8c: {  	[spmem:s26] =	stream.linear.scatter @!p0 [tilespmem:s10], [sflag:$0x1], $0x10, $0x38;
	[tilespmem:$0x15EF8] =	vst v63  }
0x8d: {  	_ =	swait.ge @!p0 [sflag:s9], $0x10  }
0x8e: {  	[sflag:s9] =	ssyncset.done @!p0 $0x0  }
0x8f: {  	[sflag:s9] =	ssyncadd.s32 @!p0 $0xFFFFFFF0  }
0x90: {  	s13 =	sadd.s32 $0x0, s21;
	[bflag:$0x0] =	sbarrier.arrive $0xFFFF  }
0x91: {  	[tilespmem:s31], [sflag:$0x1] =	stream.linear.gather [hbm4b:s13+s4], $0x40, $0x38;
	[tilespmem:$0x15EF8] =	vst v63  }
0x92: {  	_ =	swait.ge [sflag:s29], $0x40  }
0x93: {  	[sflag:s29] =	ssyncset.done $0x0  }
0x94: {  	[sflag:s29] =	ssyncadd.s32 $0xFFFFFFC0  }
0x95: {  	[tilespmem:s28], [sflag:$0x1] =	stream.linear.gather [hbm4b:s16+s4], $0x2000, $0x38;
	[tilespmem:$0x15EF8] =	vst v63  }
0x96: {  	_ =	swait.ge [sflag:s29], $0x2000  }
0x97: {  	[sflag:s29] =	ssyncset.done $0x0  }
0x98: {  	[sflag:s29] =	ssyncadd.s32 $0xFFFFE000  }
0x99: {  	[spmem:s1] =	stream.indirect.scatter.add.f32 [tilespmem:s28], [sflag:$0x1], $0x80, s31, s0, $0xb8;
	[tilespmem:$0x15EF8] =	vst v63  }
0x9a: {  	_ =	swait.ge [sflag:s29], $0x2000  }
0x9b: {  	[sflag:s29] =	ssyncset.done $0x0  }
0x9c: {  	[sflag:s29] =	ssyncadd.s32 $0xFFFFE000  }
0x9d: {  	[spmem:s2] =	stream.indirect.scatter.add.f32 [tilespmem:s3], [sflag:$0x1], $0x1, s31, s0, $0xb8;
	[tilespmem:$0x15EF8] =	vst v63  }
0x9e: {  	s11 =	simm.s32 $0x10;
	_ =	swait.ge [sflag:s29], $0x40  }
0x9f: {  	s10 =	simm.s32 $0x8;
	s9 =	sadd.s32 $0x400, s16;
	[sflag:s29] =	ssyncset.done $0x0  }
.LBB2_4:
0xa0: {  	s12 =	sadd.s32 s10, s21  }
0xa1: {  	[sflag:s29] =	ssyncadd.s32 $0xFFFFFFC0;
	s10 =	smov.u32 s11;
	s13 =	sadd.s32 $0x8, s11  }
0xa2: {  	[tilespmem:s31], [sflag:$0x1] =	stream.linear.gather [hbm4b:s12+s4], $0x40, $0x38;
	[tilespmem:$0x15EF8] =	vst v63  }
0xa3: {  	p1 =	sne.s32 s11, $0x4D8;
	_ =	swait.ge [sflag:s29], $0x40  }
0xa4: {  	[sflag:s29] =	ssyncset.done $0x0  }
0xa5: {  	[sflag:s29] =	ssyncadd.s32 $0xFFFFFFC0  }
0xa6: {  	[tilespmem:s28], [sflag:$0x1] =	stream.linear.gather [hbm4b:s9+s4], $0x2000, $0x38;
	[tilespmem:$0x15EF8] =	vst v63  }
0xa7: {  	_ =	swait.ge [sflag:s29], $0x2000  }
0xa8: {  	[sflag:s29] =	ssyncset.done $0x0  }
0xa9: {  	[sflag:s29] =	ssyncadd.s32 $0xFFFFE000  }
0xaa: {  	[spmem:s1] =	stream.indirect.scatter.add.f32 [tilespmem:s28], [sflag:$0x1], $0x80, s31, s0, $0xb8;
	[tilespmem:$0x15EF8] =	vst v63  }
0xab: {  	_ =	swait.ge [sflag:s29], $0x2000  }
.Ltmp1:
0xac: {  	[sflag:s29] =	ssyncset.done $0x0;
	(pc) =	sbr.rel @p1 .LBB2_4-.Ltmp1, $4  }
0xad: {  	[sflag:s29] =	ssyncadd.s32 $0xFFFFE000  }
0xae: {  	[spmem:s2] =	stream.indirect.scatter.add.f32 [tilespmem:s3], [sflag:$0x1], $0x1, s31, s0, $0xb8;
	[tilespmem:$0x15EF8] =	vst v63  }
0xaf: {  	_ =	swait.ge [sflag:s29], $0x40  }
0xb0: {  	s11 =	smov.u32 s13;
	s9 =	sadd.s32 $0x400, s9;
	[sflag:s29] =	ssyncset.done $0x0  }
0xb1: {  	s10 =	sadd.s32 s10, s21;
	[sflag:s29] =	ssyncadd.s32 $0xFFFFFFC0  }
0xb2: {  	[tilespmem:s31], [sflag:$0x1] =	stream.linear.gather [hbm4b:s10+s4], $0x40, $0x38;
	[tilespmem:$0x15EF8] =	vst v63  }
0xb3: {  	_ =	swait.ge [sflag:s29], $0x40  }
0xb4: {  	[sflag:s29] =	ssyncset.done $0x0  }
0xb5: {  	[sflag:s29] =	ssyncadd.s32 $0xFFFFFFC0  }
0xb6: {  	[tilespmem:s28], [sflag:$0x1] =	stream.linear.gather [hbm4b:s9+s4], $0x2000, $0x38;
	[tilespmem:$0x15EF8] =	vst v63  }
0xb7: {  	_ =	swait.ge [sflag:s29], $0x2000  }
0xb8: {  	[sflag:s29] =	ssyncset.done $0x0  }
0xb9: {  	[sflag:s29] =	ssyncadd.s32 $0xFFFFE000  }
0xba: {  	[spmem:s1] =	stream.indirect.scatter.add.f32 [tilespmem:s28], [sflag:$0x1], $0x80, s31, s0, $0xb8;
	[tilespmem:$0x15EF8] =	vst v63  }
0xbb: {  	_ =	swait.ge [sflag:s29], $0x2000  }
0xbc: {  	[sflag:s29] =	ssyncset.done $0x0  }
0xbd: {  	[sflag:s29] =	ssyncadd.s32 $0xFFFFE000  }
0xbe: {  	[spmem:s2] =	stream.indirect.scatter.add.f32 [tilespmem:s3], [sflag:$0x1], $0x1, s31, s0, $0xb8;
	[tilespmem:$0x15EF8] =	vst v63  }
0xbf: {  	_ =	swait.ge [sflag:s29], $0x40  }
0xc0: {  	[sflag:s29] =	ssyncset.done $0x0  }
0xc1: {  	[sflag:s29] =	ssyncadd.s32 $0xFFFFFFC0  }
0xc2: {  	[tilespmem:s6], [sflag:$0x1] =	stream.linear.gather [hbm4b:s20+s4], $0x10, $0x38;
	[tilespmem:$0x15EF8] =	vst v63  }
0xc3: {  	_ =	swait.ge [sflag:s29], $0x10  }
0xc4: {  	[sflag:s29] =	ssyncset.done $0x0  }
0xc5: {  	[sflag:s29] =	ssyncadd.s32 $0xFFFFFFF0  }
0xc6: {  	[tilespmem:s28], [sflag:$0x1] =	stream.linear.gather [hbm4b:s14+s4], $0x800, $0x38;
	[tilespmem:$0x15EF8] =	vst v63  }
0xc7: {  	_ =	swait.ge [sflag:s29], $0x800  }
0xc8: {  	[sflag:s29] =	ssyncset.done $0x0  }
0xc9: {  	[sflag:s29] =	ssyncadd.s32 $0xFFFFF800  }
0xca: {  	[spmem:s1] =	stream.indirect.scatter.add.f32 [tilespmem:s28], [sflag:$0x1], $0x80, s6, s7, $0xb8;
	[tilespmem:$0x15EF8] =	vst v63  }
0xcb: {  	_ =	swait.ge [sflag:s29], $0x800  }
0xcc: {  	[sflag:s29] =	ssyncset.done $0x0  }
0xcd: {  	[sflag:s29] =	ssyncadd.s32 $0xFFFFF800  }
0xce: {  	[spmem:s2] =	stream.indirect.scatter.add.f32 [tilespmem:s3], [sflag:$0x1], $0x1, s6, s7, $0xb8;
	[tilespmem:$0x15EF8] =	vst v63  }
0xcf: {  	_ =	swait.ge [sflag:s29], $0x10  }
0xd0: {  	[sflag:s29] =	ssyncset.done $0x0  }
0xd1: {  	s11 =	stileid.u32;
	[sflag:s29] =	ssyncadd.s32 $0xFFFFFFF0  }
0xd2: {  	s9 =	sshll.u32 s11, $0x6;
	[bflag:$0x0] =	sbarrier.arrive $0xFFFF  }
0xd3: {  	s12 =	sshrl.u32 s5, $0x3;
	s9 =	sor.u32 $0x1C01, s9;
	s11 =	rddreg [dreg:$0xd]  }
0xd4: {  	[hbm:s11], [sflag:s9] =	dma.local [spmem:s12], $0x2700  }
0xd5: {  	_ =	swait.ge [sflag:s29], $0x2700  }
0xd6: {  	[sflag:s29] =	ssyncset.done $0x0  }
0xd7: {  	[sflag:s29] =	ssyncadd.s32 $0xFFFFD900  }
0xd8: {  	[tilespmem:s30], [sflag:$0x1] =	stream.linear.gather [spmem:s19], $0x270, $0x38;
	[tilespmem:$0x15EF8] =	vst v63  }
0xd9: {  	_ =	swait.ge [sflag:s29], $0x270  }
0xda: {  	[sflag:s29] =	ssyncset.done $0x0  }
0xdb: {  	s13 =	rddreg [dreg:$0xe];
	[sflag:s29] =	ssyncadd.s32 $0xFFFFFD90  }
0xdc: {  	[hbm4b:s13+s4] =	stream.linear.scatter [tilespmem:s30], [sflag:$0x1], $0x270, $0x38;
	[tilespmem:$0x15EF8] =	vst v63  }
0xdd: {  	_ =	swait.ge [sflag:s29], $0x270  }
0xde: {  	[sflag:s29] =	ssyncset.done $0x0  }
0xdf: {  	s10 =	sshrl.u32 @!p0 s22, $0x3;
	[sflag:s29] =	ssyncadd.s32 $0xFFFFFD90  }
0xe0: {  	[hbm:s23], [sflag:s9] =	dma.local @!p0 [spmem:s10], $0x100  }
0xe1: {  	s9 =	simm.s32 @!p0 $0x1  }
0xe2: {  	_ =	swait.ge @!p0 [sflag:s9], $0x100  }
0xe3: {  	[sflag:s9] =	ssyncset.done @!p0 $0x0  }
0xe4: {  	s10 =	simm.s32 @!p0 $0x15C78;
	[sflag:s9] =	ssyncadd.s32 @!p0 $0xFFFFFF00  }
0xe5: {  	[tilespmem:s10], [sflag:$0x1] =	stream.linear.gather @!p0 [spmem:s26], $0x10, $0x38;
	[tilespmem:$0x15EF8] =	vst v63  }
0xe6: {  	s8 =	sadd.s32 $0x1, s8;
	_ =	swait.ge @!p0 [sflag:s9], $0x10  }
0xe7: {  	p1 =	sne.s32 s8, s25;
	[sflag:s9] =	ssyncset.done @!p0 $0x0  }
.Ltmp2:
0xe8: {  	s11 =	simm.s32 @!p0 $0x0;
	[sflag:s9] =	ssyncadd.s32 @!p0 $0xFFFFFFF0;
	(pc) =	sbr.rel @p1 .LBB2_1-.Ltmp2, $4  }
0xe9: {  	[hbm4b:s24+s11] =	stream.linear.scatter @!p0 [tilespmem:s10], [sflag:$0x1], $0x10, $0x38;
	[tilespmem:$0x15EF8] =	vst v63  }
0xea: {  	_ =	swait.ge @!p0 [sflag:s9], $0x10  }
0xeb: {  	[sflag:s9] =	ssyncset.done @!p0 $0x0  }
0xec: {  	[sflag:s9] =	ssyncadd.s32 @!p0 $0xFFFFFFF0  }
0xed: {  	_ =	sfence.sel $0x180000  }
0xee: {  	[bflag:$0x0] =	sbarrier.arrive $0xFFFF  }
0xef: {  	_ =	strace $0x90000047  }
0xf0: {  	s0 =	stileid.u32;
	[bflag:$0x2] =	sbarrier.arrive $0xFFFF  }
0xf1: {  	p0 =	sne.s32 s0, $0x0;
	s0 =	rddreg [dreg:$0x6]  }
0xf2: {  	s0 =	sadd.s32 @!p0 $0x100000, s0  }
0xf3: {  	[sflag:s0] =	ssyncadd.tile.s32 @!p0 $0x1;
	_ =	shalt  }
.Lfunc_end2:
_tile_overlayer_lowered:
.L_overlay_start_2:
0xf4: {  	(tag) =	ssettag $0x2  }
0xf5: {  	s0 =	rddreg [dreg:$0x0];
	s2 =	stileid.u32  }
0xf6: {  	s1 =	rddreg [dreg:$0x1];
	p0 =	sne.s32 s2, $0x0  }
0xf7: {  	s3 =	rddreg [dreg:$0x2];
	[bflag:$0x3] =	sbarrier.arrive $0xFFFF;
	s2 =	simm.s32 @!p0 $0x1C01  }
0xf8: {  	[timem:s3], [sflag:s2] =	dma.local @!p0 [hbm:s0], s1  }
0xf9: {  	s0 =	simm.s32 @!p0 $0x1  }
0xfa: {  	_ =	swait.ge @!p0 [sflag:s0], s1  }
0xfb: {  	s1 =	ssub.s32 @!p0 $0x0, s1;
	[sflag:s0] =	ssyncset.done @!p0 $0x0  }
0xfc: {  	[sflag:s0] =	ssyncadd.s32 @!p0 s1  }
0xfd: {  	[bflag:$0x3] =	sbarrier.arrive $0xFFFF  }
0xfe: {  	_ =	shalt  }

</sc_bundles>
